<compile_context>
chip_gen: v7x
topology: tpu7x:2x2x1
jax: 0.10.2.dev20260603
libtpu: 0.0.44.dev20260713+nightly
codegen_flags: <defaults>
</compile_context>

<pallas_src>
import functools

import jax
import jax.numpy as jnp
from jax import lax
from jax.experimental import pallas as pl
from jax.experimental.pallas import tpu as pltpu
from jax.experimental.pallas import tpu_sc as plsc

_B, _N, _T, _F = 4, 2500, 12, 128
_HID = 128
_LOOKAHEAD = 12
_NTOT = _B * _N
_E = 320000

_NC, _NS = 2, 16
_NTILE = _NC * _NS
_CH = 128
_NCHUNK = 80
_EPAD = _NTILE * _NCHUNK * _CH
_NPAD = 10240
_RPT = _NPAD // _NS
_ZB = 128
_CNTW = 128
_G = 40
_NGRP = _NCHUNK // _G

_mesh = plsc.VectorSubcoreMesh(core_axis_name="c", subcore_axis_name="s")


@functools.partial(
    pl.kernel,
    out_type=jax.ShapeDtypeStruct((_NC, _NPAD, _CNTW), jnp.float32),
    mesh=_mesh,
    scratch_types=[
        pltpu.VMEM((_CH, _CNTW), jnp.float32),
        pltpu.VMEM((_G, _CH), jnp.int32),
        pltpu.VMEM_SHARED((_NPAD, _CNTW), jnp.float32),
        pltpu.SemaphoreType.DMA,
    ],
)
def _sc_count(dst_hbm, out_hbm, buf_v, dig_v, cnt_sh, sem):
    c = lax.axis_index("c")
    s = lax.axis_index("s")
    wid = c * _NS + s

    @pl.loop(0, _CH)
    def _(i):
        for jj in range(_CNTW // 16):
            buf_v[i, pl.ds(jj * 16, 16)] = jnp.zeros((16,), jnp.float32)

    for k in range(_RPT // _ZB):
        pltpu.sync_copy(buf_v, cnt_sh.at[pl.ds(s * _RPT + k * _ZB, _ZB)])

    @pl.loop(0, _CH)
    def _(i):
        for jj in range(_CNTW // 16):
            buf_v[i, pl.ds(jj * 16, 16)] = jnp.full((16,), 1.0, jnp.float32)

    plsc.subcore_barrier()

    for g in range(_NGRP):
        pltpu.sync_copy(dst_hbm.at[wid, pl.ds(g * _G, _G)], dig_v)

        @pl.loop(0, _G, step=4)
        def _(j):
            handles = [
                pltpu.async_copy(buf_v, cnt_sh.at[dig_v.at[j + d]], sem,
                                 add=True)
                for d in range(4)
            ]
            for h in handles:
                h.wait()

    plsc.subcore_barrier()
    pltpu.sync_copy(cnt_sh.at[pl.ds(s * _RPT, _RPT)],
                    out_hbm.at[c, pl.ds(s * _RPT, _RPT)])


@functools.partial(
    pl.kernel,
    out_type=jax.ShapeDtypeStruct((_NC, _NPAD, _F), jnp.float32),
    mesh=_mesh,
    scratch_types=[
        pltpu.VMEM((_CH, _F), jnp.float32),
        pltpu.VMEM((_CH, _F), jnp.float32),
        pltpu.VMEM((_G, _CH), jnp.int32),
        pltpu.VMEM((_G, _CH), jnp.int32),
        pltpu.VMEM_SHARED((_NPAD, _F), jnp.float32),
        pltpu.SemaphoreType.DMA,
        pltpu.SemaphoreType.DMA,
    ],
)
def _sc_scatter(xs_hbm, src_hbm, dst_hbm, out_hbm,
                rows0_v, rows1_v, sig_v, dig_v, acc_sh, sem0, sem1):
    c = lax.axis_index("c")
    s = lax.axis_index("s")
    wid = c * _NS + s

    @pl.loop(0, _ZB)
    def _(i):
        for jj in range(_F // 16):
            rows0_v[i, pl.ds(jj * 16, 16)] = jnp.zeros((16,), jnp.float32)

    for k in range(_RPT // _ZB):
        pltpu.sync_copy(rows0_v, acc_sh.at[pl.ds(s * _RPT + k * _ZB, _ZB)])
    plsc.subcore_barrier()

    for g in range(_NGRP):
        pltpu.sync_copy(src_hbm.at[wid, pl.ds(g * _G, _G)], sig_v)
        pltpu.sync_copy(dst_hbm.at[wid, pl.ds(g * _G, _G)], dig_v)
        pltpu.async_copy(xs_hbm.at[sig_v.at[0]], rows0_v, sem0)

        @pl.loop(0, _G, step=2)
        def _(j):
            pltpu.async_copy(xs_hbm.at[sig_v.at[j + 1]], rows1_v, sem1)
            pltpu.make_async_copy(xs_hbm.at[pl.ds(0, _CH)], rows0_v,
                                  sem0).wait()
            pltpu.sync_copy(rows0_v, acc_sh.at[dig_v.at[j]], add=True)

            @pl.when(j + 2 < _G)
            def _():
                pltpu.async_copy(xs_hbm.at[sig_v.at[j + 2]], rows0_v, sem0)

            pltpu.make_async_copy(xs_hbm.at[pl.ds(0, _CH)], rows1_v,
                                  sem1).wait()
            pltpu.sync_copy(rows1_v, acc_sh.at[dig_v.at[j + 1]], add=True)

    plsc.subcore_barrier()
    pltpu.sync_copy(acc_sh.at[pl.ds(s * _RPT, _RPT)],
                    out_hbm.at[c, pl.ds(s * _RPT, _RPT)])


_ROWS = 1000


def _prep_body(x_ref, cnt_ref, xs_ref):
    deg = 1.0 + cnt_ref[0, :, 0:1] + cnt_ref[1, :, 0:1]
    xs_ref[...] = x_ref[...] * lax.rsqrt(deg)


def _prep_call(x, counts):
    return pl.pallas_call(
        _prep_body,
        grid=(_NTOT // _ROWS,),
        in_specs=[
            pl.BlockSpec((_ROWS, _F), lambda i: (i, 0)),
            pl.BlockSpec((_NC, _ROWS, _CNTW), lambda i: (0, i, 0)),
        ],
        out_specs=pl.BlockSpec((_ROWS, _F), lambda i: (i, 0)),
        out_shape=jax.ShapeDtypeStruct((_NTOT, _F), jnp.float32),
    )(x, counts)


def _final_body(p_ref, xs_ref, cnt_ref, wz_ref, bz_ref, lz_ref, lzb_ref,
                wh_ref, bh_ref, lh_ref, lhb_ref, w1_ref, b1_ref,
                hh_ref, out_ref):
    deg = 1.0 + cnt_ref[0, :, 0:1] + cnt_ref[1, :, 0:1]
    dinv = lax.rsqrt(deg)
    y = dinv * (p_ref[0] + p_ref[1] + xs_ref[...])
    hi = lax.Precision.HIGHEST
    cz = jnp.dot(y, wz_ref[...], precision=hi,
                 preferred_element_type=jnp.float32) + bz_ref[...]
    ch = jnp.dot(y, wh_ref[...], precision=hi,
                 preferred_element_type=jnp.float32) + bh_ref[...]
    z = jax.nn.sigmoid(jnp.dot(cz, lz_ref[...], precision=hi,
                               preferred_element_type=jnp.float32) + lzb_ref[...])
    ht = jnp.tanh(jnp.dot(ch, lh_ref[...], precision=hi,
                          preferred_element_type=jnp.float32) + lhb_ref[...])
    hh = jnp.maximum((1.0 - z) * ht, 0.0)
    hh_ref[...] = hh
    out_ref[...] = jnp.dot(hh, w1_ref[...], precision=hi,
                           preferred_element_type=jnp.float32) + b1_ref[...]


def _full_spec(shape):
    return pl.BlockSpec(shape, lambda i: tuple(0 for _ in shape))


def _final_call(parts, xs, counts, Wz, bz, Lz0, Lzb, Wh, bh, Lh0, Lhb, W1, b1):
    return pl.pallas_call(
        _final_body,
        grid=(_NTOT // _ROWS,),
        in_specs=[
            pl.BlockSpec((_NC, _ROWS, _F), lambda i: (0, i, 0)),
            pl.BlockSpec((_ROWS, _F), lambda i: (i, 0)),
            pl.BlockSpec((_NC, _ROWS, _CNTW), lambda i: (0, i, 0)),
            _full_spec((_F, _HID)), _full_spec((1, _HID)),
            _full_spec((_HID, _HID)), _full_spec((1, _HID)),
            _full_spec((_F, _HID)), _full_spec((1, _HID)),
            _full_spec((_HID, _HID)), _full_spec((1, _HID)),
            _full_spec((_HID, _LOOKAHEAD)), _full_spec((1, _LOOKAHEAD)),
        ],
        out_specs=[
            pl.BlockSpec((_ROWS, _HID), lambda i: (i, 0)),
            pl.BlockSpec((_ROWS, _LOOKAHEAD), lambda i: (i, 0)),
        ],
        out_shape=[
            jax.ShapeDtypeStruct((_NTOT, _HID), jnp.float32),
            jax.ShapeDtypeStruct((_NTOT, _LOOKAHEAD), jnp.float32),
        ],
    )(parts, xs, counts, Wz, bz, Lz0, Lzb, Wh, bh, Lh0, Lhb, W1, b1)


def kernel(node_data, edge_index, Wz, bz, Lz_W, Lz_b, Wr, br, Lr_W, Lr_b,
           Wh, bh, Lh_W, Lh_b, W1, b1):
    x = node_data[:, :, _T - 1, :].reshape(_NTOT, _F)
    npad_e = _EPAD - _E
    pad_iota = jnp.arange(npad_e, dtype=jnp.int32)
    src = jnp.concatenate([edge_index[0], pad_iota % _NTOT])
    dst = jnp.concatenate([edge_index[1],
                           _NTOT + pad_iota % (_NPAD - _NTOT)])
    src = src.reshape(_NTILE, _NCHUNK, _CH)
    dst = dst.reshape(_NTILE, _NCHUNK, _CH)

    counts = _sc_count(dst)
    xs = _prep_call(x, counts)
    parts = _sc_scatter(xs, src, dst)
    hh, out = _final_call(
        parts, xs, counts,
        Wz, bz.reshape(1, _HID), Lz_W[:_HID], Lz_b.reshape(1, _HID),
        Wh, bh.reshape(1, _HID), Lh_W[:_HID], Lh_b.reshape(1, _HID),
        W1, b1.reshape(1, _LOOKAHEAD))
    return (out.reshape(_B, _N, _LOOKAHEAD), hh.reshape(_B, _N, _HID))

# --- scband reference (transcript-rebuilt; emitter-appended) ---
"""Pipeline reference for scband-batch-tgcn-42056319762698 (READ-ONLY COPY).

The authoritative reference and input builder live on the scoring server;
editing this copy changes nothing except your own understanding.
"""

import jax, jax.numpy as jnp
import numpy as np

B, N, T, F = 4, 2500, 12, 128
HID = 128
LOOKAHEAD = 12
NTOT = B * N
E = 320000
LOOKBACK_IDX = jnp.arange(128, dtype=jnp.int32)


def setup_inputs(seed: int = 0) -> dict:
    key = jax.random.key(seed)
    ks = jax.random.split(key, 20)
    node_data = jax.random.normal(ks[0], (B, N, T, F), dtype=jnp.float32)
    edge_index = jax.random.randint(ks[1], (2, E), 0, NTOT, dtype=jnp.int32)
    s = 0.1
    inp = {"node_data": node_data, "edge_index": edge_index}
    # TGCN encoder cell params (GCNConv + Linear per gate z, r, h)
    names = ["z", "r", "h"]
    for i, g in enumerate(names):
        inp[f"W{g}"] = jax.random.normal(ks[2 + 4 * i], (F, HID), jnp.float32) * s
        inp[f"b{g}"] = jnp.zeros((HID,), jnp.float32)
        inp[f"L{g}_W"] = jax.random.normal(ks[3 + 4 * i], (2 * HID, HID), jnp.float32) * s
        inp[f"L{g}_b"] = jnp.zeros((HID,), jnp.float32)
    # linear1_node: hidden_dim -> lookahead_horizon * node_out_fea_dim
    inp["W1"] = jax.random.normal(ks[14], (HID, LOOKAHEAD), jnp.float32) * s
    inp["b1"] = jnp.zeros((LOOKAHEAD,), jnp.float32)
    return inp


def _gcn_conv(x, W, b, src, dst, n):
    # GCNConv with added self-loops and symmetric normalization, edge_weight=1
    xw = x @ W
    loop = jnp.arange(n, dtype=src.dtype)
    s = jnp.concatenate([src, loop])
    d = jnp.concatenate([dst, loop])
    w = jnp.ones((s.shape[0],), x.dtype)
    deg = jax.ops.segment_sum(w, d, num_segments=n)
    dinv = jnp.where(deg > 0, jax.lax.rsqrt(deg), 0.0)
    norm = dinv[s] * w * dinv[d]
    msg = xw[s] * norm[:, None]
    return jax.ops.segment_sum(msg, d, num_segments=n) + b


def _tgcn_cell(X, src, dst, Wz, bz, Lz_W, Lz_b, Wr, br, Lr_W, Lr_b, Wh, bh, Lh_W, Lh_b, n):
    Hprev = jnp.zeros((n, HID), X.dtype)  # H=None -> zeros
    Cz = _gcn_conv(X, Wz, bz, src, dst, n)
    Z = jax.nn.sigmoid(jnp.concatenate([Cz, Hprev], axis=1) @ Lz_W + Lz_b)
    Cr = _gcn_conv(X, Wr, br, src, dst, n)
    R = jax.nn.sigmoid(jnp.concatenate([Cr, Hprev], axis=1) @ Lr_W + Lr_b)
    Ch = _gcn_conv(X, Wh, bh, src, dst, n)
    Ht = jnp.tanh(jnp.concatenate([Ch, Hprev * R], axis=1) @ Lh_W + Lh_b)
    return Z * Hprev + (1.0 - Z) * Ht


def reference(node_data, edge_index, Wz, bz, Lz_W, Lz_b, Wr, br, Lr_W, Lr_b, Wh, bh, Lh_W, Lh_b, W1, b1):
    src, dst = edge_index[0], edge_index[1]
    h = None
    for i in range(T):  # lookback_horizon; hidden is NOT carried across steps (H=None each call)
        xi = jnp.take(node_data[:, :, i, :], LOOKBACK_IDX, axis=2)
        xi = xi.reshape(B * N, -1)
        h = _tgcn_cell(xi, src, dst, Wz, bz, Lz_W, Lz_b, Wr, br, Lr_W, Lr_b, Wh, bh, Lh_W, Lh_b, NTOT)
        h = jax.nn.relu(h)  # dropout_encoder1 is identity in eval mode
    hh = jax.nn.relu(h)  # in-place relu_ in forward also affects returned hh
    out = hh @ W1 + b1  # linear1_node
    out = out.reshape(B, N, LOOKAHEAD)
    hh_r = hh.reshape(B, N, HID)
    return (out, hh_r)

if __name__ == "__main__":
    import jax
    _d = setup_inputs()
    print(jax.jit(kernel)(*tuple(_d.values())))

</pallas_src>

<mosaic_0001>
#map = affine_map<(d0, d1) -> (0, 0, 0)>
module attributes {stable_mosaic.version = 14 : i64} {
  func.func @_sc_count(%arg0: i32, %arg1: i32, %arg2: memref<32x80x128xi32, #tpu.memory_space<hbm>>, %arg3: memref<2x10240x128xf32, #tpu.memory_space<hbm>>, %arg4: memref<128x128xf32, #tpu.memory_space<vmem>>, %arg5: memref<40x128xi32, #tpu.memory_space<vmem>>, %arg6: memref<10240x128xf32, #tpu.memory_space<vmem_shared>>, %arg7: memref<!tpu.dma_semaphore, #tpu.memory_space<semaphore_mem>>) attributes {dimension_semantics = [#tpu.dimension_semantics<core_parallel>, #tpu.dimension_semantics<subcore_parallel>], iteration_bounds = array<i64: 2, 16>, scalar_prefetch = 0 : i64, scratch_operands = 4 : i64, tpu.core_type = #tpu.core_type<sc_vector_subcore>, window_params = [{transform_indices = #map}, {transform_indices = #map}]} {
    %mul3A = arith.constant 16 : i32
    %mul3A_0 = arith.muli %arg0, %mul3A : i32
    %add3A = arith.addi %mul3A_0, %arg1 : i32
    %scan3A = arith.constant 0 : i32
    %scan3A_1 = arith.constant 128 : i32
    %scan3A_2 = arith.addi %scan3A, %scan3A_1 : i32
    %scan3A_3 = arith.constant 1 : i32
    scf.for %scan3A_45 = %scan3A to %scan3A_2 step %scan3A_3  : i32 {
      %mul3A_46 = arith.constant 1 : i32
      %mul3A_47 = arith.muli %scan3A_45, %mul3A_46 : i32
      %add3A_48 = arith.constant 0 : i32
      %add3A_49 = arith.addi %add3A_48, %mul3A_47 : i32
      %broadcast_in_dim3A = arith.constant 0.000000e+00 : f32
      %broadcast_in_dim3A_50 = vector.broadcast %broadcast_in_dim3A : f32 to vector<16xf32>
      %swap3A = arith.index_cast %add3A_49 : i32 to index
      %swap3A_51 = arith.constant 0 : index
      %swap3A_52 = tpu.vector_load %arg4[%swap3A, %swap3A_51] {strides = array<i32>} : memref<128x128xf32, #tpu.memory_space<vmem>>, vector<1x16xf32>,
      %swap3A_53 = vector.shape_cast %swap3A_52 : vector<1x16xf32> to vector<16xf32>
      %swap3A_54 = vector.shape_cast %broadcast_in_dim3A_50 : vector<16xf32> to vector<1x16xf32>
      tpu.vector_store %arg4[%swap3A, %swap3A_51], %swap3A_54 {strides = array<i32>} : memref<128x128xf32, #tpu.memory_space<vmem>>, vector<1x16xf32>,
      %broadcast_in_dim3A_55 = arith.constant 0.000000e+00 : f32
      %broadcast_in_dim3A_56 = vector.broadcast %broadcast_in_dim3A_55 : f32 to vector<16xf32>
      %swap3A_57 = arith.index_cast %add3A_49 : i32 to index
      %swap3A_58 = arith.constant 16 : index
      %swap3A_59 = tpu.vector_load %arg4[%swap3A_57, %swap3A_58] {strides = array<i32>} : memref<128x128xf32, #tpu.memory_space<vmem>>, vector<1x16xf32>,
      %swap3A_60 = vector.shape_cast %swap3A_59 : vector<1x16xf32> to vector<16xf32>
      %swap3A_61 = vector.shape_cast %broadcast_in_dim3A_56 : vector<16xf32> to vector<1x16xf32>
      tpu.vector_store %arg4[%swap3A_57, %swap3A_58], %swap3A_61 {strides = array<i32>} : memref<128x128xf32, #tpu.memory_space<vmem>>, vector<1x16xf32>,
      %broadcast_in_dim3A_62 = arith.constant 0.000000e+00 : f32
      %broadcast_in_dim3A_63 = vector.broadcast %broadcast_in_dim3A_62 : f32 to vector<16xf32>
      %swap3A_64 = arith.index_cast %add3A_49 : i32 to index
      %swap3A_65 = arith.constant 32 : index
      %swap3A_66 = tpu.vector_load %arg4[%swap3A_64, %swap3A_65] {strides = array<i32>} : memref<128x128xf32, #tpu.memory_space<vmem>>, vector<1x16xf32>,
      %swap3A_67 = vector.shape_cast %swap3A_66 : vector<1x16xf32> to vector<16xf32>
      %swap3A_68 = vector.shape_cast %broadcast_in_dim3A_63 : vector<16xf32> to vector<1x16xf32>
      tpu.vector_store %arg4[%swap3A_64, %swap3A_65], %swap3A_68 {strides = array<i32>} : memref<128x128xf32, #tpu.memory_space<vmem>>, vector<1x16xf32>,
      %broadcast_in_dim3A_69 = arith.constant 0.000000e+00 : f32
      %broadcast_in_dim3A_70 = vector.broadcast %broadcast_in_dim3A_69 : f32 to vector<16xf32>
      %swap3A_71 = arith.index_cast %add3A_49 : i32 to index
      %swap3A_72 = arith.constant 48 : index
      %swap3A_73 = tpu.vector_load %arg4[%swap3A_71, %swap3A_72] {strides = array<i32>} : memref<128x128xf32, #tpu.memory_space<vmem>>, vector<1x16xf32>,
      %swap3A_74 = vector.shape_cast %swap3A_73 : vector<1x16xf32> to vector<16xf32>
      %swap3A_75 = vector.shape_cast %broadcast_in_dim3A_70 : vector<16xf32> to vector<1x16xf32>
      tpu.vector_store %arg4[%swap3A_71, %swap3A_72], %swap3A_75 {strides = array<i32>} : memref<128x128xf32, #tpu.memory_space<vmem>>, vector<1x16xf32>,
      %broadcast_in_dim3A_76 = arith.constant 0.000000e+00 : f32
      %broadcast_in_dim3A_77 = vector.broadcast %broadcast_in_dim3A_76 : f32 to vector<16xf32>
      %swap3A_78 = arith.index_cast %add3A_49 : i32 to index
      %swap3A_79 = arith.constant 64 : index
      %swap3A_80 = tpu.vector_load %arg4[%swap3A_78, %swap3A_79] {strides = array<i32>} : memref<128x128xf32, #tpu.memory_space<vmem>>, vector<1x16xf32>,
      %swap3A_81 = vector.shape_cast %swap3A_80 : vector<1x16xf32> to vector<16xf32>
      %swap3A_82 = vector.shape_cast %broadcast_in_dim3A_77 : vector<16xf32> to vector<1x16xf32>
      tpu.vector_store %arg4[%swap3A_78, %swap3A_79], %swap3A_82 {strides = array<i32>} : memref<128x128xf32, #tpu.memory_space<vmem>>, vector<1x16xf32>,
      %broadcast_in_dim3A_83 = arith.constant 0.000000e+00 : f32
      %broadcast_in_dim3A_84 = vector.broadcast %broadcast_in_dim3A_83 : f32 to vector<16xf32>
      %swap3A_85 = arith.index_cast %add3A_49 : i32 to index
      %swap3A_86 = arith.constant 80 : index
      %swap3A_87 = tpu.vector_load %arg4[%swap3A_85, %swap3A_86] {strides = array<i32>} : memref<128x128xf32, #tpu.memory_space<vmem>>, vector<1x16xf32>,
      %swap3A_88 = vector.shape_cast %swap3A_87 : vector<1x16xf32> to vector<16xf32>
      %swap3A_89 = vector.shape_cast %broadcast_in_dim3A_84 : vector<16xf32> to vector<1x16xf32>
      tpu.vector_store %arg4[%swap3A_85, %swap3A_86], %swap3A_89 {strides = array<i32>} : memref<128x128xf32, #tpu.memory_space<vmem>>, vector<1x16xf32>,
      %broadcast_in_dim3A_90 = arith.constant 0.000000e+00 : f32
      %broadcast_in_dim3A_91 = vector.broadcast %broadcast_in_dim3A_90 : f32 to vector<16xf32>
      %swap3A_92 = arith.index_cast %add3A_49 : i32 to index
      %swap3A_93 = arith.constant 96 : index
      %swap3A_94 = tpu.vector_load %arg4[%swap3A_92, %swap3A_93] {strides = array<i32>} : memref<128x128xf32, #tpu.memory_space<vmem>>, vector<1x16xf32>,
      %swap3A_95 = vector.shape_cast %swap3A_94 : vector<1x16xf32> to vector<16xf32>
      %swap3A_96 = vector.shape_cast %broadcast_in_dim3A_91 : vector<16xf32> to vector<1x16xf32>
      tpu.vector_store %arg4[%swap3A_92, %swap3A_93], %swap3A_96 {strides = array<i32>} : memref<128x128xf32, #tpu.memory_space<vmem>>, vector<1x16xf32>,
      %broadcast_in_dim3A_97 = arith.constant 0.000000e+00 : f32
      %broadcast_in_dim3A_98 = vector.broadcast %broadcast_in_dim3A_97 : f32 to vector<16xf32>
      %swap3A_99 = arith.index_cast %add3A_49 : i32 to index
      %swap3A_100 = arith.constant 112 : index
      %swap3A_101 = tpu.vector_load %arg4[%swap3A_99, %swap3A_100] {strides = array<i32>} : memref<128x128xf32, #tpu.memory_space<vmem>>, vector<1x16xf32>,
      %swap3A_102 = vector.shape_cast %swap3A_101 : vector<1x16xf32> to vector<16xf32>
      %swap3A_103 = vector.shape_cast %broadcast_in_dim3A_98 : vector<16xf32> to vector<1x16xf32>
      tpu.vector_store %arg4[%swap3A_99, %swap3A_100], %swap3A_103 {strides = array<i32>} : memref<128x128xf32, #tpu.memory_space<vmem>>, vector<1x16xf32>,
    }
    %scan3A_4 = arith.constant 128 : i32
    %mul3A_5 = arith.constant 640 : i32
    %mul3A_6 = arith.muli %arg1, %mul3A_5 : i32
    %add3A_7 = arith.constant 0 : i32
    %add3A_8 = arith.addi %mul3A_6, %add3A_7 : i32
    "tpu.region"() ({
      %run_scoped3A = tpu.sem_alloc : memref<!tpu.dma_semaphore, #tpu.memory_space<semaphore_mem>>
      %dma_start3A = arith.constant 0 : i32
      %dma_start3A_45 = tpu.memref_slice %arg6[%add3A_8, %dma_start3A] : memref<10240x128xf32, #tpu.memory_space<vmem_shared>> -> memref<128x128xf32, #tpu.memory_space<vmem_shared>>
      %dma_start3A_46 = arith.constant 0 : i32
      %dma_start3A_47 = tpu.memref_slice %arg6[%add3A_8, %dma_start3A_46] : memref<10240x128xf32, #tpu.memory_space<vmem_shared>> -> memref<128x128xf32, #tpu.memory_space<vmem_shared>>
      tpu.enqueue_dma source(%arg4 : memref<128x128xf32, #tpu.memory_space<vmem>>) target(%dma_start3A_47 : memref<128x128xf32, #tpu.memory_space<vmem_shared>>) target_semaphore(%run_scoped3A : memref<!tpu.dma_semaphore, #tpu.memory_space<semaphore_mem>>)
      %dma_wait3A = arith.constant 0 : i32
      %dma_wait3A_48 = tpu.memref_slice %arg6[%add3A_8, %dma_wait3A] : memref<10240x128xf32, #tpu.memory_space<vmem_shared>> -> memref<128x128xf32, #tpu.memory_space<vmem_shared>>
      %dma_wait3A_49 = arith.constant 0 : i32
      %dma_wait3A_50 = tpu.memref_slice %arg6[%add3A_8, %dma_wait3A_49] : memref<10240x128xf32, #tpu.memory_space<vmem_shared>> -> memref<128x128xf32, #tpu.memory_space<vmem_shared>>
      tpu.wait_dma2 semaphore(%run_scoped3A : memref<!tpu.dma_semaphore, #tpu.memory_space<semaphore_mem>>) src(%arg4 : memref<128x128xf32, #tpu.memory_space<vmem>>) dst(%dma_wait3A_50 : memref<128x128xf32, #tpu.memory_space<vmem_shared>>)
      tpu.yield
    }) : () -> ()
    %mul3A_9 = arith.constant 640 : i32
    %mul3A_10 = arith.muli %arg1, %mul3A_9 : i32
    %add3A_11 = arith.constant 128 : i32
    %add3A_12 = arith.addi %mul3A_10, %add3A_11 : i32
    "tpu.region"() ({
      %run_scoped3A = tpu.sem_alloc : memref<!tpu.dma_semaphore, #tpu.memory_space<semaphore_mem>>
      %dma_start3A = arith.constant 0 : i32
      %dma_start3A_45 = tpu.memref_slice %arg6[%add3A_12, %dma_start3A] : memref<10240x128xf32, #tpu.memory_space<vmem_shared>> -> memref<128x128xf32, #tpu.memory_space<vmem_shared>>
      %dma_start3A_46 = arith.constant 0 : i32
      %dma_start3A_47 = tpu.memref_slice %arg6[%add3A_12, %dma_start3A_46] : memref<10240x128xf32, #tpu.memory_space<vmem_shared>> -> memref<128x128xf32, #tpu.memory_space<vmem_shared>>
      tpu.enqueue_dma source(%arg4 : memref<128x128xf32, #tpu.memory_space<vmem>>) target(%dma_start3A_47 : memref<128x128xf32, #tpu.memory_space<vmem_shared>>) target_semaphore(%run_scoped3A : memref<!tpu.dma_semaphore, #tpu.memory_space<semaphore_mem>>)
      %dma_wait3A = arith.constant 0 : i32
      %dma_wait3A_48 = tpu.memref_slice %arg6[%add3A_12, %dma_wait3A] : memref<10240x128xf32, #tpu.memory_space<vmem_shared>> -> memref<128x128xf32, #tpu.memory_space<vmem_shared>>
      %dma_wait3A_49 = arith.constant 0 : i32
      %dma_wait3A_50 = tpu.memref_slice %arg6[%add3A_12, %dma_wait3A_49] : memref<10240x128xf32, #tpu.memory_space<vmem_shared>> -> memref<128x128xf32, #tpu.memory_space<vmem_shared>>
      tpu.wait_dma2 semaphore(%run_scoped3A : memref<!tpu.dma_semaphore, #tpu.memory_space<semaphore_mem>>) src(%arg4 : memref<128x128xf32, #tpu.memory_space<vmem>>) dst(%dma_wait3A_50 : memref<128x128xf32, #tpu.memory_space<vmem_shared>>)
      tpu.yield
    }) : () -> ()
    %mul3A_13 = arith.constant 640 : i32
    %mul3A_14 = arith.muli %arg1, %mul3A_13 : i32
    %add3A_15 = arith.constant 256 : i32
    %add3A_16 = arith.addi %mul3A_14, %add3A_15 : i32
    "tpu.region"() ({
      %run_scoped3A = tpu.sem_alloc : memref<!tpu.dma_semaphore, #tpu.memory_space<semaphore_mem>>
      %dma_start3A = arith.constant 0 : i32
      %dma_start3A_45 = tpu.memref_slice %arg6[%add3A_16, %dma_start3A] : memref<10240x128xf32, #tpu.memory_space<vmem_shared>> -> memref<128x128xf32, #tpu.memory_space<vmem_shared>>
      %dma_start3A_46 = arith.constant 0 : i32
      %dma_start3A_47 = tpu.memref_slice %arg6[%add3A_16, %dma_start3A_46] : memref<10240x128xf32, #tpu.memory_space<vmem_shared>> -> memref<128x128xf32, #tpu.memory_space<vmem_shared>>
      tpu.enqueue_dma source(%arg4 : memref<128x128xf32, #tpu.memory_space<vmem>>) target(%dma_start3A_47 : memref<128x128xf32, #tpu.memory_space<vmem_shared>>) target_semaphore(%run_scoped3A : memref<!tpu.dma_semaphore, #tpu.memory_space<semaphore_mem>>)
      %dma_wait3A = arith.constant 0 : i32
      %dma_wait3A_48 = tpu.memref_slice %arg6[%add3A_16, %dma_wait3A] : memref<10240x128xf32, #tpu.memory_space<vmem_shared>> -> memref<128x128xf32, #tpu.memory_space<vmem_shared>>
      %dma_wait3A_49 = arith.constant 0 : i32
      %dma_wait3A_50 = tpu.memref_slice %arg6[%add3A_16, %dma_wait3A_49] : memref<10240x128xf32, #tpu.memory_space<vmem_shared>> -> memref<128x128xf32, #tpu.memory_space<vmem_shared>>
      tpu.wait_dma2 semaphore(%run_scoped3A : memref<!tpu.dma_semaphore, #tpu.memory_space<semaphore_mem>>) src(%arg4 : memref<128x128xf32, #tpu.memory_space<vmem>>) dst(%dma_wait3A_50 : memref<128x128xf32, #tpu.memory_space<vmem_shared>>)
      tpu.yield
    }) : () -> ()
    %mul3A_17 = arith.constant 640 : i32
    %mul3A_18 = arith.muli %arg1, %mul3A_17 : i32
    %add3A_19 = arith.constant 384 : i32
    %add3A_20 = arith.addi %mul3A_18, %add3A_19 : i32
    "tpu.region"() ({
      %run_scoped3A = tpu.sem_alloc : memref<!tpu.dma_semaphore, #tpu.memory_space<semaphore_mem>>
      %dma_start3A = arith.constant 0 : i32
      %dma_start3A_45 = tpu.memref_slice %arg6[%add3A_20, %dma_start3A] : memref<10240x128xf32, #tpu.memory_space<vmem_shared>> -> memref<128x128xf32, #tpu.memory_space<vmem_shared>>
      %dma_start3A_46 = arith.constant 0 : i32
      %dma_start3A_47 = tpu.memref_slice %arg6[%add3A_20, %dma_start3A_46] : memref<10240x128xf32, #tpu.memory_space<vmem_shared>> -> memref<128x128xf32, #tpu.memory_space<vmem_shared>>
      tpu.enqueue_dma source(%arg4 : memref<128x128xf32, #tpu.memory_space<vmem>>) target(%dma_start3A_47 : memref<128x128xf32, #tpu.memory_space<vmem_shared>>) target_semaphore(%run_scoped3A : memref<!tpu.dma_semaphore, #tpu.memory_space<semaphore_mem>>)
      %dma_wait3A = arith.constant 0 : i32
      %dma_wait3A_48 = tpu.memref_slice %arg6[%add3A_20, %dma_wait3A] : memref<10240x128xf32, #tpu.memory_space<vmem_shared>> -> memref<128x128xf32, #tpu.memory_space<vmem_shared>>
      %dma_wait3A_49 = arith.constant 0 : i32
      %dma_wait3A_50 = tpu.memref_slice %arg6[%add3A_20, %dma_wait3A_49] : memref<10240x128xf32, #tpu.memory_space<vmem_shared>> -> memref<128x128xf32, #tpu.memory_space<vmem_shared>>
      tpu.wait_dma2 semaphore(%run_scoped3A : memref<!tpu.dma_semaphore, #tpu.memory_space<semaphore_mem>>) src(%arg4 : memref<128x128xf32, #tpu.memory_space<vmem>>) dst(%dma_wait3A_50 : memref<128x128xf32, #tpu.memory_space<vmem_shared>>)
      tpu.yield
    }) : () -> ()
    %mul3A_21 = arith.constant 640 : i32
    %mul3A_22 = arith.muli %arg1, %mul3A_21 : i32
    %add3A_23 = arith.constant 512 : i32
    %add3A_24 = arith.addi %mul3A_22, %add3A_23 : i32
    "tpu.region"() ({
      %run_scoped3A = tpu.sem_alloc : memref<!tpu.dma_semaphore, #tpu.memory_space<semaphore_mem>>
      %dma_start3A = arith.constant 0 : i32
      %dma_start3A_45 = tpu.memref_slice %arg6[%add3A_24, %dma_start3A] : memref<10240x128xf32, #tpu.memory_space<vmem_shared>> -> memref<128x128xf32, #tpu.memory_space<vmem_shared>>
      %dma_start3A_46 = arith.constant 0 : i32
      %dma_start3A_47 = tpu.memref_slice %arg6[%add3A_24, %dma_start3A_46] : memref<10240x128xf32, #tpu.memory_space<vmem_shared>> -> memref<128x128xf32, #tpu.memory_space<vmem_shared>>
      tpu.enqueue_dma source(%arg4 : memref<128x128xf32, #tpu.memory_space<vmem>>) target(%dma_start3A_47 : memref<128x128xf32, #tpu.memory_space<vmem_shared>>) target_semaphore(%run_scoped3A : memref<!tpu.dma_semaphore, #tpu.memory_space<semaphore_mem>>)
      %dma_wait3A = arith.constant 0 : i32
      %dma_wait3A_48 = tpu.memref_slice %arg6[%add3A_24, %dma_wait3A] : memref<10240x128xf32, #tpu.memory_space<vmem_shared>> -> memref<128x128xf32, #tpu.memory_space<vmem_shared>>
      %dma_wait3A_49 = arith.constant 0 : i32
      %dma_wait3A_50 = tpu.memref_slice %arg6[%add3A_24, %dma_wait3A_49] : memref<10240x128xf32, #tpu.memory_space<vmem_shared>> -> memref<128x128xf32, #tpu.memory_space<vmem_shared>>
      tpu.wait_dma2 semaphore(%run_scoped3A : memref<!tpu.dma_semaphore, #tpu.memory_space<semaphore_mem>>) src(%arg4 : memref<128x128xf32, #tpu.memory_space<vmem>>) dst(%dma_wait3A_50 : memref<128x128xf32, #tpu.memory_space<vmem_shared>>)
      tpu.yield
    }) : () -> ()
    %scan3A_25 = arith.constant 0 : i32
    %scan3A_26 = arith.constant 128 : i32
    %scan3A_27 = arith.addi %scan3A_25, %scan3A_26 : i32
    %scan3A_28 = arith.constant 1 : i32
    scf.for %scan3A_45 = %scan3A_25 to %scan3A_27 step %scan3A_28  : i32 {
      %mul3A_46 = arith.constant 1 : i32
      %mul3A_47 = arith.muli %scan3A_45, %mul3A_46 : i32
      %add3A_48 = arith.constant 0 : i32
      %add3A_49 = arith.addi %add3A_48, %mul3A_47 : i32
      %broadcast_in_dim3A = arith.constant 1.000000e+00 : f32
      %broadcast_in_dim3A_50 = vector.broadcast %broadcast_in_dim3A : f32 to vector<16xf32>
      %swap3A = arith.index_cast %add3A_49 : i32 to index
      %swap3A_51 = arith.constant 0 : index
      %swap3A_52 = tpu.vector_load %arg4[%swap3A, %swap3A_51] {strides = array<i32>} : memref<128x128xf32, #tpu.memory_space<vmem>>, vector<1x16xf32>,
      %swap3A_53 = vector.shape_cast %swap3A_52 : vector<1x16xf32> to vector<16xf32>
      %swap3A_54 = vector.shape_cast %broadcast_in_dim3A_50 : vector<16xf32> to vector<1x16xf32>
      tpu.vector_store %arg4[%swap3A, %swap3A_51], %swap3A_54 {strides = array<i32>} : memref<128x128xf32, #tpu.memory_space<vmem>>, vector<1x16xf32>,
      %broadcast_in_dim3A_55 = arith.constant 1.000000e+00 : f32
      %broadcast_in_dim3A_56 = vector.broadcast %broadcast_in_dim3A_55 : f32 to vector<16xf32>
      %swap3A_57 = arith.index_cast %add3A_49 : i32 to index
      %swap3A_58 = arith.constant 16 : index
      %swap3A_59 = tpu.vector_load %arg4[%swap3A_57, %swap3A_58] {strides = array<i32>} : memref<128x128xf32, #tpu.memory_space<vmem>>, vector<1x16xf32>,
      %swap3A_60 = vector.shape_cast %swap3A_59 : vector<1x16xf32> to vector<16xf32>
      %swap3A_61 = vector.shape_cast %broadcast_in_dim3A_56 : vector<16xf32> to vector<1x16xf32>
      tpu.vector_store %arg4[%swap3A_57, %swap3A_58], %swap3A_61 {strides = array<i32>} : memref<128x128xf32, #tpu.memory_space<vmem>>, vector<1x16xf32>,
      %broadcast_in_dim3A_62 = arith.constant 1.000000e+00 : f32
      %broadcast_in_dim3A_63 = vector.broadcast %broadcast_in_dim3A_62 : f32 to vector<16xf32>
      %swap3A_64 = arith.index_cast %add3A_49 : i32 to index
      %swap3A_65 = arith.constant 32 : index
      %swap3A_66 = tpu.vector_load %arg4[%swap3A_64, %swap3A_65] {strides = array<i32>} : memref<128x128xf32, #tpu.memory_space<vmem>>, vector<1x16xf32>,
      %swap3A_67 = vector.shape_cast %swap3A_66 : vector<1x16xf32> to vector<16xf32>
      %swap3A_68 = vector.shape_cast %broadcast_in_dim3A_63 : vector<16xf32> to vector<1x16xf32>
      tpu.vector_store %arg4[%swap3A_64, %swap3A_65], %swap3A_68 {strides = array<i32>} : memref<128x128xf32, #tpu.memory_space<vmem>>, vector<1x16xf32>,
      %broadcast_in_dim3A_69 = arith.constant 1.000000e+00 : f32
      %broadcast_in_dim3A_70 = vector.broadcast %broadcast_in_dim3A_69 : f32 to vector<16xf32>
      %swap3A_71 = arith.index_cast %add3A_49 : i32 to index
      %swap3A_72 = arith.constant 48 : index
      %swap3A_73 = tpu.vector_load %arg4[%swap3A_71, %swap3A_72] {strides = array<i32>} : memref<128x128xf32, #tpu.memory_space<vmem>>, vector<1x16xf32>,
      %swap3A_74 = vector.shape_cast %swap3A_73 : vector<1x16xf32> to vector<16xf32>
      %swap3A_75 = vector.shape_cast %broadcast_in_dim3A_70 : vector<16xf32> to vector<1x16xf32>
      tpu.vector_store %arg4[%swap3A_71, %swap3A_72], %swap3A_75 {strides = array<i32>} : memref<128x128xf32, #tpu.memory_space<vmem>>, vector<1x16xf32>,
      %broadcast_in_dim3A_76 = arith.constant 1.000000e+00 : f32
      %broadcast_in_dim3A_77 = vector.broadcast %broadcast_in_dim3A_76 : f32 to vector<16xf32>
      %swap3A_78 = arith.index_cast %add3A_49 : i32 to index
      %swap3A_79 = arith.constant 64 : index
      %swap3A_80 = tpu.vector_load %arg4[%swap3A_78, %swap3A_79] {strides = array<i32>} : memref<128x128xf32, #tpu.memory_space<vmem>>, vector<1x16xf32>,
      %swap3A_81 = vector.shape_cast %swap3A_80 : vector<1x16xf32> to vector<16xf32>
      %swap3A_82 = vector.shape_cast %broadcast_in_dim3A_77 : vector<16xf32> to vector<1x16xf32>
      tpu.vector_store %arg4[%swap3A_78, %swap3A_79], %swap3A_82 {strides = array<i32>} : memref<128x128xf32, #tpu.memory_space<vmem>>, vector<1x16xf32>,
      %broadcast_in_dim3A_83 = arith.constant 1.000000e+00 : f32
      %broadcast_in_dim3A_84 = vector.broadcast %broadcast_in_dim3A_83 : f32 to vector<16xf32>
      %swap3A_85 = arith.index_cast %add3A_49 : i32 to index
      %swap3A_86 = arith.constant 80 : index
      %swap3A_87 = tpu.vector_load %arg4[%swap3A_85, %swap3A_86] {strides = array<i32>} : memref<128x128xf32, #tpu.memory_space<vmem>>, vector<1x16xf32>,
      %swap3A_88 = vector.shape_cast %swap3A_87 : vector<1x16xf32> to vector<16xf32>
      %swap3A_89 = vector.shape_cast %broadcast_in_dim3A_84 : vector<16xf32> to vector<1x16xf32>
      tpu.vector_store %arg4[%swap3A_85, %swap3A_86], %swap3A_89 {strides = array<i32>} : memref<128x128xf32, #tpu.memory_space<vmem>>, vector<1x16xf32>,
      %broadcast_in_dim3A_90 = arith.constant 1.000000e+00 : f32
      %broadcast_in_dim3A_91 = vector.broadcast %broadcast_in_dim3A_90 : f32 to vector<16xf32>
      %swap3A_92 = arith.index_cast %add3A_49 : i32 to index
      %swap3A_93 = arith.constant 96 : index
      %swap3A_94 = tpu.vector_load %arg4[%swap3A_92, %swap3A_93] {strides = array<i32>} : memref<128x128xf32, #tpu.memory_space<vmem>>, vector<1x16xf32>,
      %swap3A_95 = vector.shape_cast %swap3A_94 : vector<1x16xf32> to vector<16xf32>
      %swap3A_96 = vector.shape_cast %broadcast_in_dim3A_91 : vector<16xf32> to vector<1x16xf32>
      tpu.vector_store %arg4[%swap3A_92, %swap3A_93], %swap3A_96 {strides = array<i32>} : memref<128x128xf32, #tpu.memory_space<vmem>>, vector<1x16xf32>,
      %broadcast_in_dim3A_97 = arith.constant 1.000000e+00 : f32
      %broadcast_in_dim3A_98 = vector.broadcast %broadcast_in_dim3A_97 : f32 to vector<16xf32>
      %swap3A_99 = arith.index_cast %add3A_49 : i32 to index
      %swap3A_100 = arith.constant 112 : index
      %swap3A_101 = tpu.vector_load %arg4[%swap3A_99, %swap3A_100] {strides = array<i32>} : memref<128x128xf32, #tpu.memory_space<vmem>>, vector<1x16xf32>,
      %swap3A_102 = vector.shape_cast %swap3A_101 : vector<1x16xf32> to vector<16xf32>
      %swap3A_103 = vector.shape_cast %broadcast_in_dim3A_98 : vector<16xf32> to vector<1x16xf32>
      tpu.vector_store %arg4[%swap3A_99, %swap3A_100], %swap3A_103 {strides = array<i32>} : memref<128x128xf32, #tpu.memory_space<vmem>>, vector<1x16xf32>,
    }
    %scan3A_29 = arith.constant 128 : i32
    %barrier3A = arith.constant 0 : index
    tpu.barrier barrier_id(%barrier3A)
    "tpu.region"() ({
      %run_scoped3A = tpu.sem_alloc : memref<!tpu.dma_semaphore, #tpu.memory_space<semaphore_mem>>
      %dma_start3A = arith.constant 0 : i32
      %dma_start3A_45 = arith.constant 0 : i32
      %dma_start3A_46 = tpu.memref_slice %arg2[%add3A, %dma_start3A, %dma_start3A_45] : memref<32x80x128xi32, #tpu.memory_space<hbm>> -> memref<1x40x128xi32, #tpu.memory_space<hbm>>
      %dma_start3A_47 = tpu.memref_squeeze %dma_start3A_46 : memref<1x40x128xi32, #tpu.memory_space<hbm>> -> memref<40x128xi32, #tpu.memory_space<hbm>>
      %dma_start3A_48 = arith.constant 0 : i32
      %dma_start3A_49 = arith.constant 0 : i32
      %dma_start3A_50 = tpu.memref_slice %arg2[%add3A, %dma_start3A_48, %dma_start3A_49] : memref<32x80x128xi32, #tpu.memory_space<hbm>> -> memref<1x40x128xi32, #tpu.memory_space<hbm>>
      %dma_start3A_51 = tpu.memref_squeeze %dma_start3A_50 : memref<1x40x128xi32, #tpu.memory_space<hbm>> -> memref<40x128xi32, #tpu.memory_space<hbm>>
      tpu.enqueue_dma source(%dma_start3A_51 : memref<40x128xi32, #tpu.memory_space<hbm>>) target(%arg5 : memref<40x128xi32, #tpu.memory_space<vmem>>) target_semaphore(%run_scoped3A : memref<!tpu.dma_semaphore, #tpu.memory_space<semaphore_mem>>)
      %dma_wait3A = arith.constant 0 : i32
      %dma_wait3A_52 = arith.constant 0 : i32
      %dma_wait3A_53 = tpu.memref_slice %arg2[%add3A, %dma_wait3A, %dma_wait3A_52] : memref<32x80x128xi32, #tpu.memory_space<hbm>> -> memref<1x40x128xi32, #tpu.memory_space<hbm>>
      %dma_wait3A_54 = tpu.memref_squeeze %dma_wait3A_53 : memref<1x40x128xi32, #tpu.memory_space<hbm>> -> memref<40x128xi32, #tpu.memory_space<hbm>>
      %dma_wait3A_55 = arith.constant 0 : i32
      %dma_wait3A_56 = arith.constant 0 : i32
      %dma_wait3A_57 = tpu.memref_slice %arg2[%add3A, %dma_wait3A_55, %dma_wait3A_56] : memref<32x80x128xi32, #tpu.memory_space<hbm>> -> memref<1x40x128xi32, #tpu.memory_space<hbm>>
      %dma_wait3A_58 = tpu.memref_squeeze %dma_wait3A_57 : memref<1x40x128xi32, #tpu.memory_space<hbm>> -> memref<40x128xi32, #tpu.memory_space<hbm>>
      tpu.wait_dma2 semaphore(%run_scoped3A : memref<!tpu.dma_semaphore, #tpu.memory_space<semaphore_mem>>) src(%dma_wait3A_58 : memref<40x128xi32, #tpu.memory_space<hbm>>) dst(%arg5 : memref<40x128xi32, #tpu.memory_space<vmem>>)
      tpu.yield
    }) : () -> ()
    %scan3A_30 = arith.constant 0 : i32
    %scan3A_31 = arith.constant 10 : i32
    %scan3A_32 = arith.addi %scan3A_30, %scan3A_31 : i32
    %scan3A_33 = arith.constant 1 : i32
    scf.for %scan3A_45 = %scan3A_30 to %scan3A_32 step %scan3A_33  : i32 {
      %mul3A_46 = arith.constant 4 : i32
      %mul3A_47 = arith.muli %scan3A_45, %mul3A_46 : i32
      %add3A_48 = arith.constant 0 : i32
      %add3A_49 = arith.addi %add3A_48, %mul3A_47 : i32
      %add3A_50 = arith.constant 0 : i32
      %add3A_51 = arith.addi %add3A_49, %add3A_50 : i32
      %dma_start3A = arith.constant 0 : i32
      %dma_start3A_52 = tpu.memref_slice %arg5[%add3A_51, %dma_start3A] : memref<40x128xi32, #tpu.memory_space<vmem>> -> memref<1x128xi32, #tpu.memory_space<vmem>>
      %dma_start3A_53 = tpu.memref_squeeze %dma_start3A_52 : memref<1x128xi32, #tpu.memory_space<vmem>> -> memref<128xi32, #tpu.memory_space<vmem>>
      %dma_start3A_54 = arith.constant 0 : i32
      %dma_start3A_55 = arith.constant 0 : i32
      %dma_start3A_56 = tpu.memref_slice %arg6[%dma_start3A_54, %dma_start3A_55] : memref<10240x128xf32, #tpu.memory_space<vmem_shared>> -> memref<10240x128xf32, #tpu.memory_space<vmem_shared>>
      tpu.enqueue_indirect_dma source(%arg4 : memref<128x128xf32, #tpu.memory_space<vmem>>) target(%dma_start3A_56 : memref<10240x128xf32, #tpu.memory_space<vmem_shared>>) offsets(%dma_start3A_53 : memref<128xi32, #tpu.memory_space<vmem>>) semaphore(%arg7 : memref<!tpu.dma_semaphore, #tpu.memory_space<semaphore_mem>>) {add = true}
      %add3A_57 = arith.constant 1 : i32
      %add3A_58 = arith.addi %add3A_49, %add3A_57 : i32
      %dma_start3A_59 = arith.constant 0 : i32
      %dma_start3A_60 = tpu.memref_slice %arg5[%add3A_58, %dma_start3A_59] : memref<40x128xi32, #tpu.memory_space<vmem>> -> memref<1x128xi32, #tpu.memory_space<vmem>>
      %dma_start3A_61 = tpu.memref_squeeze %dma_start3A_60 : memref<1x128xi32, #tpu.memory_space<vmem>> -> memref<128xi32, #tpu.memory_space<vmem>>
      %dma_start3A_62 = arith.constant 0 : i32
      %dma_start3A_63 = arith.constant 0 : i32
      %dma_start3A_64 = tpu.memref_slice %arg6[%dma_start3A_62, %dma_start3A_63] : memref<10240x128xf32, #tpu.memory_space<vmem_shared>> -> memref<10240x128xf32, #tpu.memory_space<vmem_shared>>
      tpu.enqueue_indirect_dma source(%arg4 : memref<128x128xf32, #tpu.memory_space<vmem>>) target(%dma_start3A_64 : memref<10240x128xf32, #tpu.memory_space<vmem_shared>>) offsets(%dma_start3A_61 : memref<128xi32, #tpu.memory_space<vmem>>) semaphore(%arg7 : memref<!tpu.dma_semaphore, #tpu.memory_space<semaphore_mem>>) {add = true}
      %add3A_65 = arith.constant 2 : i32
      %add3A_66 = arith.addi %add3A_49, %add3A_65 : i32
      %dma_start3A_67 = arith.constant 0 : i32
      %dma_start3A_68 = tpu.memref_slice %arg5[%add3A_66, %dma_start3A_67] : memref<40x128xi32, #tpu.memory_space<vmem>> -> memref<1x128xi32, #tpu.memory_space<vmem>>
      %dma_start3A_69 = tpu.memref_squeeze %dma_start3A_68 : memref<1x128xi32, #tpu.memory_space<vmem>> -> memref<128xi32, #tpu.memory_space<vmem>>
      %dma_start3A_70 = arith.constant 0 : i32
      %dma_start3A_71 = arith.constant 0 : i32
      %dma_start3A_72 = tpu.memref_slice %arg6[%dma_start3A_70, %dma_start3A_71] : memref<10240x128xf32, #tpu.memory_space<vmem_shared>> -> memref<10240x128xf32, #tpu.memory_space<vmem_shared>>
      tpu.enqueue_indirect_dma source(%arg4 : memref<128x128xf32, #tpu.memory_space<vmem>>) target(%dma_start3A_72 : memref<10240x128xf32, #tpu.memory_space<vmem_shared>>) offsets(%dma_start3A_69 : memref<128xi32, #tpu.memory_space<vmem>>) semaphore(%arg7 : memref<!tpu.dma_semaphore, #tpu.memory_space<semaphore_mem>>) {add = true}
      %add3A_73 = arith.constant 3 : i32
      %add3A_74 = arith.addi %add3A_49, %add3A_73 : i32
      %dma_start3A_75 = arith.constant 0 : i32
      %dma_start3A_76 = tpu.memref_slice %arg5[%add3A_74, %dma_start3A_75] : memref<40x128xi32, #tpu.memory_space<vmem>> -> memref<1x128xi32, #tpu.memory_space<vmem>>
      %dma_start3A_77 = tpu.memref_squeeze %dma_start3A_76 : memref<1x128xi32, #tpu.memory_space<vmem>> -> memref<128xi32, #tpu.memory_space<vmem>>
      %dma_start3A_78 = arith.constant 0 : i32
      %dma_start3A_79 = arith.constant 0 : i32
      %dma_start3A_80 = tpu.memref_slice %arg6[%dma_start3A_78, %dma_start3A_79] : memref<10240x128xf32, #tpu.memory_space<vmem_shared>> -> memref<10240x128xf32, #tpu.memory_space<vmem_shared>>
      tpu.enqueue_indirect_dma source(%arg4 : memref<128x128xf32, #tpu.memory_space<vmem>>) target(%dma_start3A_80 : memref<10240x128xf32, #tpu.memory_space<vmem_shared>>) offsets(%dma_start3A_77 : memref<128xi32, #tpu.memory_space<vmem>>) semaphore(%arg7 : memref<!tpu.dma_semaphore, #tpu.memory_space<semaphore_mem>>) {add = true}
      %dma_wait3A = arith.constant 0 : i32
      %dma_wait3A_81 = tpu.memref_slice %arg5[%add3A_51, %dma_wait3A] : memref<40x128xi32, #tpu.memory_space<vmem>> -> memref<1x128xi32, #tpu.memory_space<vmem>>
      %dma_wait3A_82 = tpu.memref_squeeze %dma_wait3A_81 : memref<1x128xi32, #tpu.memory_space<vmem>> -> memref<128xi32, #tpu.memory_space<vmem>>
      %dma_wait3A_83 = arith.constant 0 : i32
      %dma_wait3A_84 = arith.constant 0 : i32
      %dma_wait3A_85 = tpu.memref_slice %arg6[%dma_wait3A_83, %dma_wait3A_84] : memref<10240x128xf32, #tpu.memory_space<vmem_shared>> -> memref<10240x128xf32, #tpu.memory_space<vmem_shared>>
      tpu.wait_indirect_dma semaphore(%arg7 : memref<!tpu.dma_semaphore, #tpu.memory_space<semaphore_mem>>) src(%arg4 : memref<128x128xf32, #tpu.memory_space<vmem>>) dst(%dma_wait3A_85 : memref<10240x128xf32, #tpu.memory_space<vmem_shared>>)
      %dma_wait3A_86 = arith.constant 0 : i32
      %dma_wait3A_87 = tpu.memref_slice %arg5[%add3A_58, %dma_wait3A_86] : memref<40x128xi32, #tpu.memory_space<vmem>> -> memref<1x128xi32, #tpu.memory_space<vmem>>
      %dma_wait3A_88 = tpu.memref_squeeze %dma_wait3A_87 : memref<1x128xi32, #tpu.memory_space<vmem>> -> memref<128xi32, #tpu.memory_space<vmem>>
      %dma_wait3A_89 = arith.constant 0 : i32
      %dma_wait3A_90 = arith.constant 0 : i32
      %dma_wait3A_91 = tpu.memref_slice %arg6[%dma_wait3A_89, %dma_wait3A_90] : memref<10240x128xf32, #tpu.memory_space<vmem_shared>> -> memref<10240x128xf32, #tpu.memory_space<vmem_shared>>
      tpu.wait_indirect_dma semaphore(%arg7 : memref<!tpu.dma_semaphore, #tpu.memory_space<semaphore_mem>>) src(%arg4 : memref<128x128xf32, #tpu.memory_space<vmem>>) dst(%dma_wait3A_91 : memref<10240x128xf32, #tpu.memory_space<vmem_shared>>)
      %dma_wait3A_92 = arith.constant 0 : i32
      %dma_wait3A_93 = tpu.memref_slice %arg5[%add3A_66, %dma_wait3A_92] : memref<40x128xi32, #tpu.memory_space<vmem>> -> memref<1x128xi32, #tpu.memory_space<vmem>>
      %dma_wait3A_94 = tpu.memref_squeeze %dma_wait3A_93 : memref<1x128xi32, #tpu.memory_space<vmem>> -> memref<128xi32, #tpu.memory_space<vmem>>
      %dma_wait3A_95 = arith.constant 0 : i32
      %dma_wait3A_96 = arith.constant 0 : i32
      %dma_wait3A_97 = tpu.memref_slice %arg6[%dma_wait3A_95, %dma_wait3A_96] : memref<10240x128xf32, #tpu.memory_space<vmem_shared>> -> memref<10240x128xf32, #tpu.memory_space<vmem_shared>>
      tpu.wait_indirect_dma semaphore(%arg7 : memref<!tpu.dma_semaphore, #tpu.memory_space<semaphore_mem>>) src(%arg4 : memref<128x128xf32, #tpu.memory_space<vmem>>) dst(%dma_wait3A_97 : memref<10240x128xf32, #tpu.memory_space<vmem_shared>>)
      %dma_wait3A_98 = arith.constant 0 : i32
      %dma_wait3A_99 = tpu.memref_slice %arg5[%add3A_74, %dma_wait3A_98] : memref<40x128xi32, #tpu.memory_space<vmem>> -> memref<1x128xi32, #tpu.memory_space<vmem>>
      %dma_wait3A_100 = tpu.memref_squeeze %dma_wait3A_99 : memref<1x128xi32, #tpu.memory_space<vmem>> -> memref<128xi32, #tpu.memory_space<vmem>>
      %dma_wait3A_101 = arith.constant 0 : i32
      %dma_wait3A_102 = arith.constant 0 : i32
      %dma_wait3A_103 = tpu.memref_slice %arg6[%dma_wait3A_101, %dma_wait3A_102] : memref<10240x128xf32, #tpu.memory_space<vmem_shared>> -> memref<10240x128xf32, #tpu.memory_space<vmem_shared>>
      tpu.wait_indirect_dma semaphore(%arg7 : memref<!tpu.dma_semaphore, #tpu.memory_space<semaphore_mem>>) src(%arg4 : memref<128x128xf32, #tpu.memory_space<vmem>>) dst(%dma_wait3A_103 : memref<10240x128xf32, #tpu.memory_space<vmem_shared>>)
    }
    %scan3A_34 = arith.constant 10 : i32
    "tpu.region"() ({
      %run_scoped3A = tpu.sem_alloc : memref<!tpu.dma_semaphore, #tpu.memory_space<semaphore_mem>>
      %dma_start3A = arith.constant 40 : i32
      %dma_start3A_45 = arith.constant 0 : i32
      %dma_start3A_46 = tpu.memref_slice %arg2[%add3A, %dma_start3A, %dma_start3A_45] : memref<32x80x128xi32, #tpu.memory_space<hbm>> -> memref<1x40x128xi32, #tpu.memory_space<hbm>>
      %dma_start3A_47 = tpu.memref_squeeze %dma_start3A_46 : memref<1x40x128xi32, #tpu.memory_space<hbm>> -> memref<40x128xi32, #tpu.memory_space<hbm>>
      %dma_start3A_48 = arith.constant 40 : i32
      %dma_start3A_49 = arith.constant 0 : i32
      %dma_start3A_50 = tpu.memref_slice %arg2[%add3A, %dma_start3A_48, %dma_start3A_49] : memref<32x80x128xi32, #tpu.memory_space<hbm>> -> memref<1x40x128xi32, #tpu.memory_space<hbm>>
      %dma_start3A_51 = tpu.memref_squeeze %dma_start3A_50 : memref<1x40x128xi32, #tpu.memory_space<hbm>> -> memref<40x128xi32, #tpu.memory_space<hbm>>
      tpu.enqueue_dma source(%dma_start3A_51 : memref<40x128xi32, #tpu.memory_space<hbm>>) target(%arg5 : memref<40x128xi32, #tpu.memory_space<vmem>>) target_semaphore(%run_scoped3A : memref<!tpu.dma_semaphore, #tpu.memory_space<semaphore_mem>>)
      %dma_wait3A = arith.constant 40 : i32
      %dma_wait3A_52 = arith.constant 0 : i32
      %dma_wait3A_53 = tpu.memref_slice %arg2[%add3A, %dma_wait3A, %dma_wait3A_52] : memref<32x80x128xi32, #tpu.memory_space<hbm>> -> memref<1x40x128xi32, #tpu.memory_space<hbm>>
      %dma_wait3A_54 = tpu.memref_squeeze %dma_wait3A_53 : memref<1x40x128xi32, #tpu.memory_space<hbm>> -> memref<40x128xi32, #tpu.memory_space<hbm>>
      %dma_wait3A_55 = arith.constant 40 : i32
      %dma_wait3A_56 = arith.constant 0 : i32
      %dma_wait3A_57 = tpu.memref_slice %arg2[%add3A, %dma_wait3A_55, %dma_wait3A_56] : memref<32x80x128xi32, #tpu.memory_space<hbm>> -> memref<1x40x128xi32, #tpu.memory_space<hbm>>
      %dma_wait3A_58 = tpu.memref_squeeze %dma_wait3A_57 : memref<1x40x128xi32, #tpu.memory_space<hbm>> -> memref<40x128xi32, #tpu.memory_space<hbm>>
      tpu.wait_dma2 semaphore(%run_scoped3A : memref<!tpu.dma_semaphore, #tpu.memory_space<semaphore_mem>>) src(%dma_wait3A_58 : memref<40x128xi32, #tpu.memory_space<hbm>>) dst(%arg5 : memref<40x128xi32, #tpu.memory_space<vmem>>)
      tpu.yield
    }) : () -> ()
    %scan3A_35 = arith.constant 0 : i32
    %scan3A_36 = arith.constant 10 : i32
    %scan3A_37 = arith.addi %scan3A_35, %scan3A_36 : i32
    %scan3A_38 = arith.constant 1 : i32
    scf.for %scan3A_45 = %scan3A_35 to %scan3A_37 step %scan3A_38  : i32 {
      %mul3A_46 = arith.constant 4 : i32
      %mul3A_47 = arith.muli %scan3A_45, %mul3A_46 : i32
      %add3A_48 = arith.constant 0 : i32
      %add3A_49 = arith.addi %add3A_48, %mul3A_47 : i32
      %add3A_50 = arith.constant 0 : i32
      %add3A_51 = arith.addi %add3A_49, %add3A_50 : i32
      %dma_start3A = arith.constant 0 : i32
      %dma_start3A_52 = tpu.memref_slice %arg5[%add3A_51, %dma_start3A] : memref<40x128xi32, #tpu.memory_space<vmem>> -> memref<1x128xi32, #tpu.memory_space<vmem>>
      %dma_start3A_53 = tpu.memref_squeeze %dma_start3A_52 : memref<1x128xi32, #tpu.memory_space<vmem>> -> memref<128xi32, #tpu.memory_space<vmem>>
      %dma_start3A_54 = arith.constant 0 : i32
      %dma_start3A_55 = arith.constant 0 : i32
      %dma_start3A_56 = tpu.memref_slice %arg6[%dma_start3A_54, %dma_start3A_55] : memref<10240x128xf32, #tpu.memory_space<vmem_shared>> -> memref<10240x128xf32, #tpu.memory_space<vmem_shared>>
      tpu.enqueue_indirect_dma source(%arg4 : memref<128x128xf32, #tpu.memory_space<vmem>>) target(%dma_start3A_56 : memref<10240x128xf32, #tpu.memory_space<vmem_shared>>) offsets(%dma_start3A_53 : memref<128xi32, #tpu.memory_space<vmem>>) semaphore(%arg7 : memref<!tpu.dma_semaphore, #tpu.memory_space<semaphore_mem>>) {add = true}
      %add3A_57 = arith.constant 1 : i32
      %add3A_58 = arith.addi %add3A_49, %add3A_57 : i32
      %dma_start3A_59 = arith.constant 0 : i32
      %dma_start3A_60 = tpu.memref_slice %arg5[%add3A_58, %dma_start3A_59] : memref<40x128xi32, #tpu.memory_space<vmem>> -> memref<1x128xi32, #tpu.memory_space<vmem>>
      %dma_start3A_61 = tpu.memref_squeeze %dma_start3A_60 : memref<1x128xi32, #tpu.memory_space<vmem>> -> memref<128xi32, #tpu.memory_space<vmem>>
      %dma_start3A_62 = arith.constant 0 : i32
      %dma_start3A_63 = arith.constant 0 : i32
      %dma_start3A_64 = tpu.memref_slice %arg6[%dma_start3A_62, %dma_start3A_63] : memref<10240x128xf32, #tpu.memory_space<vmem_shared>> -> memref<10240x128xf32, #tpu.memory_space<vmem_shared>>
      tpu.enqueue_indirect_dma source(%arg4 : memref<128x128xf32, #tpu.memory_space<vmem>>) target(%dma_start3A_64 : memref<10240x128xf32, #tpu.memory_space<vmem_shared>>) offsets(%dma_start3A_61 : memref<128xi32, #tpu.memory_space<vmem>>) semaphore(%arg7 : memref<!tpu.dma_semaphore, #tpu.memory_space<semaphore_mem>>) {add = true}
      %add3A_65 = arith.constant 2 : i32
      %add3A_66 = arith.addi %add3A_49, %add3A_65 : i32
      %dma_start3A_67 = arith.constant 0 : i32
      %dma_start3A_68 = tpu.memref_slice %arg5[%add3A_66, %dma_start3A_67] : memref<40x128xi32, #tpu.memory_space<vmem>> -> memref<1x128xi32, #tpu.memory_space<vmem>>
      %dma_start3A_69 = tpu.memref_squeeze %dma_start3A_68 : memref<1x128xi32, #tpu.memory_space<vmem>> -> memref<128xi32, #tpu.memory_space<vmem>>
      %dma_start3A_70 = arith.constant 0 : i32
      %dma_start3A_71 = arith.constant 0 : i32
      %dma_start3A_72 = tpu.memref_slice %arg6[%dma_start3A_70, %dma_start3A_71] : memref<10240x128xf32, #tpu.memory_space<vmem_shared>> -> memref<10240x128xf32, #tpu.memory_space<vmem_shared>>
      tpu.enqueue_indirect_dma source(%arg4 : memref<128x128xf32, #tpu.memory_space<vmem>>) target(%dma_start3A_72 : memref<10240x128xf32, #tpu.memory_space<vmem_shared>>) offsets(%dma_start3A_69 : memref<128xi32, #tpu.memory_space<vmem>>) semaphore(%arg7 : memref<!tpu.dma_semaphore, #tpu.memory_space<semaphore_mem>>) {add = true}
      %add3A_73 = arith.constant 3 : i32
      %add3A_74 = arith.addi %add3A_49, %add3A_73 : i32
      %dma_start3A_75 = arith.constant 0 : i32
      %dma_start3A_76 = tpu.memref_slice %arg5[%add3A_74, %dma_start3A_75] : memref<40x128xi32, #tpu.memory_space<vmem>> -> memref<1x128xi32, #tpu.memory_space<vmem>>
      %dma_start3A_77 = tpu.memref_squeeze %dma_start3A_76 : memref<1x128xi32, #tpu.memory_space<vmem>> -> memref<128xi32, #tpu.memory_space<vmem>>
      %dma_start3A_78 = arith.constant 0 : i32
      %dma_start3A_79 = arith.constant 0 : i32
      %dma_start3A_80 = tpu.memref_slice %arg6[%dma_start3A_78, %dma_start3A_79] : memref<10240x128xf32, #tpu.memory_space<vmem_shared>> -> memref<10240x128xf32, #tpu.memory_space<vmem_shared>>
      tpu.enqueue_indirect_dma source(%arg4 : memref<128x128xf32, #tpu.memory_space<vmem>>) target(%dma_start3A_80 : memref<10240x128xf32, #tpu.memory_space<vmem_shared>>) offsets(%dma_start3A_77 : memref<128xi32, #tpu.memory_space<vmem>>) semaphore(%arg7 : memref<!tpu.dma_semaphore, #tpu.memory_space<semaphore_mem>>) {add = true}
      %dma_wait3A = arith.constant 0 : i32
      %dma_wait3A_81 = tpu.memref_slice %arg5[%add3A_51, %dma_wait3A] : memref<40x128xi32, #tpu.memory_space<vmem>> -> memref<1x128xi32, #tpu.memory_space<vmem>>
      %dma_wait3A_82 = tpu.memref_squeeze %dma_wait3A_81 : memref<1x128xi32, #tpu.memory_space<vmem>> -> memref<128xi32, #tpu.memory_space<vmem>>
      %dma_wait3A_83 = arith.constant 0 : i32
      %dma_wait3A_84 = arith.constant 0 : i32
      %dma_wait3A_85 = tpu.memref_slice %arg6[%dma_wait3A_83, %dma_wait3A_84] : memref<10240x128xf32, #tpu.memory_space<vmem_shared>> -> memref<10240x128xf32, #tpu.memory_space<vmem_shared>>
      tpu.wait_indirect_dma semaphore(%arg7 : memref<!tpu.dma_semaphore, #tpu.memory_space<semaphore_mem>>) src(%arg4 : memref<128x128xf32, #tpu.memory_space<vmem>>) dst(%dma_wait3A_85 : memref<10240x128xf32, #tpu.memory_space<vmem_shared>>)
      %dma_wait3A_86 = arith.constant 0 : i32
      %dma_wait3A_87 = tpu.memref_slice %arg5[%add3A_58, %dma_wait3A_86] : memref<40x128xi32, #tpu.memory_space<vmem>> -> memref<1x128xi32, #tpu.memory_space<vmem>>
      %dma_wait3A_88 = tpu.memref_squeeze %dma_wait3A_87 : memref<1x128xi32, #tpu.memory_space<vmem>> -> memref<128xi32, #tpu.memory_space<vmem>>
      %dma_wait3A_89 = arith.constant 0 : i32
      %dma_wait3A_90 = arith.constant 0 : i32
      %dma_wait3A_91 = tpu.memref_slice %arg6[%dma_wait3A_89, %dma_wait3A_90] : memref<10240x128xf32, #tpu.memory_space<vmem_shared>> -> memref<10240x128xf32, #tpu.memory_space<vmem_shared>>
      tpu.wait_indirect_dma semaphore(%arg7 : memref<!tpu.dma_semaphore, #tpu.memory_space<semaphore_mem>>) src(%arg4 : memref<128x128xf32, #tpu.memory_space<vmem>>) dst(%dma_wait3A_91 : memref<10240x128xf32, #tpu.memory_space<vmem_shared>>)
      %dma_wait3A_92 = arith.constant 0 : i32
      %dma_wait3A_93 = tpu.memref_slice %arg5[%add3A_66, %dma_wait3A_92] : memref<40x128xi32, #tpu.memory_space<vmem>> -> memref<1x128xi32, #tpu.memory_space<vmem>>
      %dma_wait3A_94 = tpu.memref_squeeze %dma_wait3A_93 : memref<1x128xi32, #tpu.memory_space<vmem>> -> memref<128xi32, #tpu.memory_space<vmem>>
      %dma_wait3A_95 = arith.constant 0 : i32
      %dma_wait3A_96 = arith.constant 0 : i32
      %dma_wait3A_97 = tpu.memref_slice %arg6[%dma_wait3A_95, %dma_wait3A_96] : memref<10240x128xf32, #tpu.memory_space<vmem_shared>> -> memref<10240x128xf32, #tpu.memory_space<vmem_shared>>
      tpu.wait_indirect_dma semaphore(%arg7 : memref<!tpu.dma_semaphore, #tpu.memory_space<semaphore_mem>>) src(%arg4 : memref<128x128xf32, #tpu.memory_space<vmem>>) dst(%dma_wait3A_97 : memref<10240x128xf32, #tpu.memory_space<vmem_shared>>)
      %dma_wait3A_98 = arith.constant 0 : i32
      %dma_wait3A_99 = tpu.memref_slice %arg5[%add3A_74, %dma_wait3A_98] : memref<40x128xi32, #tpu.memory_space<vmem>> -> memref<1x128xi32, #tpu.memory_space<vmem>>
      %dma_wait3A_100 = tpu.memref_squeeze %dma_wait3A_99 : memref<1x128xi32, #tpu.memory_space<vmem>> -> memref<128xi32, #tpu.memory_space<vmem>>
      %dma_wait3A_101 = arith.constant 0 : i32
      %dma_wait3A_102 = arith.constant 0 : i32
      %dma_wait3A_103 = tpu.memref_slice %arg6[%dma_wait3A_101, %dma_wait3A_102] : memref<10240x128xf32, #tpu.memory_space<vmem_shared>> -> memref<10240x128xf32, #tpu.memory_space<vmem_shared>>
      tpu.wait_indirect_dma semaphore(%arg7 : memref<!tpu.dma_semaphore, #tpu.memory_space<semaphore_mem>>) src(%arg4 : memref<128x128xf32, #tpu.memory_space<vmem>>) dst(%dma_wait3A_103 : memref<10240x128xf32, #tpu.memory_space<vmem_shared>>)
    }
    %scan3A_39 = arith.constant 10 : i32
    %barrier3A_40 = arith.constant 0 : index
    tpu.barrier barrier_id(%barrier3A_40)
    %mul3A_41 = arith.constant 640 : i32
    %mul3A_42 = arith.muli %arg1, %mul3A_41 : i32
    %mul3A_43 = arith.constant 640 : i32
    %mul3A_44 = arith.muli %arg1, %mul3A_43 : i32
    "tpu.region"() ({
      %run_scoped3A = tpu.sem_alloc : memref<!tpu.dma_semaphore, #tpu.memory_space<semaphore_mem>>
      %dma_start3A = arith.constant 0 : i32
      %dma_start3A_45 = tpu.memref_slice %arg3[%arg0, %mul3A_44, %dma_start3A] : memref<2x10240x128xf32, #tpu.memory_space<hbm>> -> memref<1x640x128xf32, #tpu.memory_space<hbm>>
      %dma_start3A_46 = tpu.memref_squeeze %dma_start3A_45 : memref<1x640x128xf32, #tpu.memory_space<hbm>> -> memref<640x128xf32, #tpu.memory_space<hbm>>
      %dma_start3A_47 = arith.constant 0 : i32
      %dma_start3A_48 = tpu.memref_slice %arg6[%mul3A_42, %dma_start3A_47] : memref<10240x128xf32, #tpu.memory_space<vmem_shared>> -> memref<640x128xf32, #tpu.memory_space<vmem_shared>>
      tpu.enqueue_dma source(%dma_start3A_48 : memref<640x128xf32, #tpu.memory_space<vmem_shared>>) target(%dma_start3A_46 : memref<640x128xf32, #tpu.memory_space<hbm>>) target_semaphore(%run_scoped3A : memref<!tpu.dma_semaphore, #tpu.memory_space<semaphore_mem>>)
      %dma_wait3A = arith.constant 0 : i32
      %dma_wait3A_49 = tpu.memref_slice %arg3[%arg0, %mul3A_44, %dma_wait3A] : memref<2x10240x128xf32, #tpu.memory_space<hbm>> -> memref<1x640x128xf32, #tpu.memory_space<hbm>>
      %dma_wait3A_50 = tpu.memref_squeeze %dma_wait3A_49 : memref<1x640x128xf32, #tpu.memory_space<hbm>> -> memref<640x128xf32, #tpu.memory_space<hbm>>
      %dma_wait3A_51 = arith.constant 0 : i32
      %dma_wait3A_52 = tpu.memref_slice %arg6[%mul3A_42, %dma_wait3A_51] : memref<10240x128xf32, #tpu.memory_space<vmem_shared>> -> memref<640x128xf32, #tpu.memory_space<vmem_shared>>
      tpu.wait_dma2 semaphore(%run_scoped3A : memref<!tpu.dma_semaphore, #tpu.memory_space<semaphore_mem>>) src(%dma_wait3A_52 : memref<640x128xf32, #tpu.memory_space<vmem_shared>>) dst(%dma_wait3A_50 : memref<640x128xf32, #tpu.memory_space<hbm>>)
      tpu.yield
    }) : () -> ()
    return
  }
}

#map = affine_map<(d0, d1) -> (0, 0)>
#map1 = affine_map<(d0, d1) -> (0, 0, 0)>
module attributes {stable_mosaic.version = 14 : i64} {
  func.func @_sc_scatter(%arg0: i32, %arg1: i32, %arg2: memref<10000x128xf32, #tpu.memory_space<hbm>>, %arg3: memref<32x80x128xi32, #tpu.memory_space<hbm>>, %arg4: memref<32x80x128xi32, #tpu.memory_space<hbm>>, %arg5: memref<2x10240x128xf32, #tpu.memory_space<hbm>>, %arg6: memref<128x128xf32, #tpu.memory_space<vmem>>, %arg7: memref<128x128xf32, #tpu.memory_space<vmem>>, %arg8: memref<40x128xi32, #tpu.memory_space<vmem>>, %arg9: memref<40x128xi32, #tpu.memory_space<vmem>>, %arg10: memref<10240x128xf32, #tpu.memory_space<vmem_shared>>, %arg11: memref<!tpu.dma_semaphore, #tpu.memory_space<semaphore_mem>>, %arg12: memref<!tpu.dma_semaphore, #tpu.memory_space<semaphore_mem>>) attributes {dimension_semantics = [#tpu.dimension_semantics<core_parallel>, #tpu.dimension_semantics<subcore_parallel>], iteration_bounds = array<i64: 2, 16>, scalar_prefetch = 0 : i64, scratch_operands = 7 : i64, tpu.core_type = #tpu.core_type<sc_vector_subcore>, window_params = [{transform_indices = #map}, {transform_indices = #map1}, {transform_indices = #map1}, {transform_indices = #map1}]} {
    %mul3A = arith.constant 16 : i32
    %mul3A_0 = arith.muli %arg0, %mul3A : i32
    %add3A = arith.addi %mul3A_0, %arg1 : i32
    %scan3A = arith.constant 0 : i32
    %scan3A_1 = arith.constant 128 : i32
    %scan3A_2 = arith.addi %scan3A, %scan3A_1 : i32
    %scan3A_3 = arith.constant 1 : i32
    scf.for %scan3A_53 = %scan3A to %scan3A_2 step %scan3A_3  : i32 {
      %mul3A_54 = arith.constant 1 : i32
      %mul3A_55 = arith.muli %scan3A_53, %mul3A_54 : i32
      %add3A_56 = arith.constant 0 : i32
      %add3A_57 = arith.addi %add3A_56, %mul3A_55 : i32
      %broadcast_in_dim3A = arith.constant 0.000000e+00 : f32
      %broadcast_in_dim3A_58 = vector.broadcast %broadcast_in_dim3A : f32 to vector<16xf32>
      %swap3A = arith.index_cast %add3A_57 : i32 to index
      %swap3A_59 = arith.constant 0 : index
      %swap3A_60 = tpu.vector_load %arg6[%swap3A, %swap3A_59] {strides = array<i32>} : memref<128x128xf32, #tpu.memory_space<vmem>>, vector<1x16xf32>,
      %swap3A_61 = vector.shape_cast %swap3A_60 : vector<1x16xf32> to vector<16xf32>
      %swap3A_62 = vector.shape_cast %broadcast_in_dim3A_58 : vector<16xf32> to vector<1x16xf32>
      tpu.vector_store %arg6[%swap3A, %swap3A_59], %swap3A_62 {strides = array<i32>} : memref<128x128xf32, #tpu.memory_space<vmem>>, vector<1x16xf32>,
      %broadcast_in_dim3A_63 = arith.constant 0.000000e+00 : f32
      %broadcast_in_dim3A_64 = vector.broadcast %broadcast_in_dim3A_63 : f32 to vector<16xf32>
      %swap3A_65 = arith.index_cast %add3A_57 : i32 to index
      %swap3A_66 = arith.constant 16 : index
      %swap3A_67 = tpu.vector_load %arg6[%swap3A_65, %swap3A_66] {strides = array<i32>} : memref<128x128xf32, #tpu.memory_space<vmem>>, vector<1x16xf32>,
      %swap3A_68 = vector.shape_cast %swap3A_67 : vector<1x16xf32> to vector<16xf32>
      %swap3A_69 = vector.shape_cast %broadcast_in_dim3A_64 : vector<16xf32> to vector<1x16xf32>
      tpu.vector_store %arg6[%swap3A_65, %swap3A_66], %swap3A_69 {strides = array<i32>} : memref<128x128xf32, #tpu.memory_space<vmem>>, vector<1x16xf32>,
      %broadcast_in_dim3A_70 = arith.constant 0.000000e+00 : f32
      %broadcast_in_dim3A_71 = vector.broadcast %broadcast_in_dim3A_70 : f32 to vector<16xf32>
      %swap3A_72 = arith.index_cast %add3A_57 : i32 to index
      %swap3A_73 = arith.constant 32 : index
      %swap3A_74 = tpu.vector_load %arg6[%swap3A_72, %swap3A_73] {strides = array<i32>} : memref<128x128xf32, #tpu.memory_space<vmem>>, vector<1x16xf32>,
      %swap3A_75 = vector.shape_cast %swap3A_74 : vector<1x16xf32> to vector<16xf32>
      %swap3A_76 = vector.shape_cast %broadcast_in_dim3A_71 : vector<16xf32> to vector<1x16xf32>
      tpu.vector_store %arg6[%swap3A_72, %swap3A_73], %swap3A_76 {strides = array<i32>} : memref<128x128xf32, #tpu.memory_space<vmem>>, vector<1x16xf32>,
      %broadcast_in_dim3A_77 = arith.constant 0.000000e+00 : f32
      %broadcast_in_dim3A_78 = vector.broadcast %broadcast_in_dim3A_77 : f32 to vector<16xf32>
      %swap3A_79 = arith.index_cast %add3A_57 : i32 to index
      %swap3A_80 = arith.constant 48 : index
      %swap3A_81 = tpu.vector_load %arg6[%swap3A_79, %swap3A_80] {strides = array<i32>} : memref<128x128xf32, #tpu.memory_space<vmem>>, vector<1x16xf32>,
      %swap3A_82 = vector.shape_cast %swap3A_81 : vector<1x16xf32> to vector<16xf32>
      %swap3A_83 = vector.shape_cast %broadcast_in_dim3A_78 : vector<16xf32> to vector<1x16xf32>
      tpu.vector_store %arg6[%swap3A_79, %swap3A_80], %swap3A_83 {strides = array<i32>} : memref<128x128xf32, #tpu.memory_space<vmem>>, vector<1x16xf32>,
      %broadcast_in_dim3A_84 = arith.constant 0.000000e+00 : f32
      %broadcast_in_dim3A_85 = vector.broadcast %broadcast_in_dim3A_84 : f32 to vector<16xf32>
      %swap3A_86 = arith.index_cast %add3A_57 : i32 to index
      %swap3A_87 = arith.constant 64 : index
      %swap3A_88 = tpu.vector_load %arg6[%swap3A_86, %swap3A_87] {strides = array<i32>} : memref<128x128xf32, #tpu.memory_space<vmem>>, vector<1x16xf32>,
      %swap3A_89 = vector.shape_cast %swap3A_88 : vector<1x16xf32> to vector<16xf32>
      %swap3A_90 = vector.shape_cast %broadcast_in_dim3A_85 : vector<16xf32> to vector<1x16xf32>
      tpu.vector_store %arg6[%swap3A_86, %swap3A_87], %swap3A_90 {strides = array<i32>} : memref<128x128xf32, #tpu.memory_space<vmem>>, vector<1x16xf32>,
      %broadcast_in_dim3A_91 = arith.constant 0.000000e+00 : f32
      %broadcast_in_dim3A_92 = vector.broadcast %broadcast_in_dim3A_91 : f32 to vector<16xf32>
      %swap3A_93 = arith.index_cast %add3A_57 : i32 to index
      %swap3A_94 = arith.constant 80 : index
      %swap3A_95 = tpu.vector_load %arg6[%swap3A_93, %swap3A_94] {strides = array<i32>} : memref<128x128xf32, #tpu.memory_space<vmem>>, vector<1x16xf32>,
      %swap3A_96 = vector.shape_cast %swap3A_95 : vector<1x16xf32> to vector<16xf32>
      %swap3A_97 = vector.shape_cast %broadcast_in_dim3A_92 : vector<16xf32> to vector<1x16xf32>
      tpu.vector_store %arg6[%swap3A_93, %swap3A_94], %swap3A_97 {strides = array<i32>} : memref<128x128xf32, #tpu.memory_space<vmem>>, vector<1x16xf32>,
      %broadcast_in_dim3A_98 = arith.constant 0.000000e+00 : f32
      %broadcast_in_dim3A_99 = vector.broadcast %broadcast_in_dim3A_98 : f32 to vector<16xf32>
      %swap3A_100 = arith.index_cast %add3A_57 : i32 to index
      %swap3A_101 = arith.constant 96 : index
      %swap3A_102 = tpu.vector_load %arg6[%swap3A_100, %swap3A_101] {strides = array<i32>} : memref<128x128xf32, #tpu.memory_space<vmem>>, vector<1x16xf32>,
      %swap3A_103 = vector.shape_cast %swap3A_102 : vector<1x16xf32> to vector<16xf32>
      %swap3A_104 = vector.shape_cast %broadcast_in_dim3A_99 : vector<16xf32> to vector<1x16xf32>
      tpu.vector_store %arg6[%swap3A_100, %swap3A_101], %swap3A_104 {strides = array<i32>} : memref<128x128xf32, #tpu.memory_space<vmem>>, vector<1x16xf32>,
      %broadcast_in_dim3A_105 = arith.constant 0.000000e+00 : f32
      %broadcast_in_dim3A_106 = vector.broadcast %broadcast_in_dim3A_105 : f32 to vector<16xf32>
      %swap3A_107 = arith.index_cast %add3A_57 : i32 to index
      %swap3A_108 = arith.constant 112 : index
      %swap3A_109 = tpu.vector_load %arg6[%swap3A_107, %swap3A_108] {strides = array<i32>} : memref<128x128xf32, #tpu.memory_space<vmem>>, vector<1x16xf32>,
      %swap3A_110 = vector.shape_cast %swap3A_109 : vector<1x16xf32> to vector<16xf32>
      %swap3A_111 = vector.shape_cast %broadcast_in_dim3A_106 : vector<16xf32> to vector<1x16xf32>
      tpu.vector_store %arg6[%swap3A_107, %swap3A_108], %swap3A_111 {strides = array<i32>} : memref<128x128xf32, #tpu.memory_space<vmem>>, vector<1x16xf32>,
    }
    %scan3A_4 = arith.constant 128 : i32
    %mul3A_5 = arith.constant 640 : i32
    %mul3A_6 = arith.muli %arg1, %mul3A_5 : i32
    %add3A_7 = arith.constant 0 : i32
    %add3A_8 = arith.addi %mul3A_6, %add3A_7 : i32
    "tpu.region"() ({
      %run_scoped3A = tpu.sem_alloc : memref<!tpu.dma_semaphore, #tpu.memory_space<semaphore_mem>>
      %dma_start3A_53 = arith.constant 0 : i32
      %dma_start3A_54 = tpu.memref_slice %arg10[%add3A_8, %dma_start3A_53] : memref<10240x128xf32, #tpu.memory_space<vmem_shared>> -> memref<128x128xf32, #tpu.memory_space<vmem_shared>>
      %dma_start3A_55 = arith.constant 0 : i32
      %dma_start3A_56 = tpu.memref_slice %arg10[%add3A_8, %dma_start3A_55] : memref<10240x128xf32, #tpu.memory_space<vmem_shared>> -> memref<128x128xf32, #tpu.memory_space<vmem_shared>>
      tpu.enqueue_dma source(%arg6 : memref<128x128xf32, #tpu.memory_space<vmem>>) target(%dma_start3A_56 : memref<128x128xf32, #tpu.memory_space<vmem_shared>>) target_semaphore(%run_scoped3A : memref<!tpu.dma_semaphore, #tpu.memory_space<semaphore_mem>>)
      %dma_wait3A = arith.constant 0 : i32
      %dma_wait3A_57 = tpu.memref_slice %arg10[%add3A_8, %dma_wait3A] : memref<10240x128xf32, #tpu.memory_space<vmem_shared>> -> memref<128x128xf32, #tpu.memory_space<vmem_shared>>
      %dma_wait3A_58 = arith.constant 0 : i32
      %dma_wait3A_59 = tpu.memref_slice %arg10[%add3A_8, %dma_wait3A_58] : memref<10240x128xf32, #tpu.memory_space<vmem_shared>> -> memref<128x128xf32, #tpu.memory_space<vmem_shared>>
      tpu.wait_dma2 semaphore(%run_scoped3A : memref<!tpu.dma_semaphore, #tpu.memory_space<semaphore_mem>>) src(%arg6 : memref<128x128xf32, #tpu.memory_space<vmem>>) dst(%dma_wait3A_59 : memref<128x128xf32, #tpu.memory_space<vmem_shared>>)
      tpu.yield
    }) : () -> ()
    %mul3A_9 = arith.constant 640 : i32
    %mul3A_10 = arith.muli %arg1, %mul3A_9 : i32
    %add3A_11 = arith.constant 128 : i32
    %add3A_12 = arith.addi %mul3A_10, %add3A_11 : i32
    "tpu.region"() ({
      %run_scoped3A = tpu.sem_alloc : memref<!tpu.dma_semaphore, #tpu.memory_space<semaphore_mem>>
      %dma_start3A_53 = arith.constant 0 : i32
      %dma_start3A_54 = tpu.memref_slice %arg10[%add3A_12, %dma_start3A_53] : memref<10240x128xf32, #tpu.memory_space<vmem_shared>> -> memref<128x128xf32, #tpu.memory_space<vmem_shared>>
      %dma_start3A_55 = arith.constant 0 : i32
      %dma_start3A_56 = tpu.memref_slice %arg10[%add3A_12, %dma_start3A_55] : memref<10240x128xf32, #tpu.memory_space<vmem_shared>> -> memref<128x128xf32, #tpu.memory_space<vmem_shared>>
      tpu.enqueue_dma source(%arg6 : memref<128x128xf32, #tpu.memory_space<vmem>>) target(%dma_start3A_56 : memref<128x128xf32, #tpu.memory_space<vmem_shared>>) target_semaphore(%run_scoped3A : memref<!tpu.dma_semaphore, #tpu.memory_space<semaphore_mem>>)
      %dma_wait3A = arith.constant 0 : i32
      %dma_wait3A_57 = tpu.memref_slice %arg10[%add3A_12, %dma_wait3A] : memref<10240x128xf32, #tpu.memory_space<vmem_shared>> -> memref<128x128xf32, #tpu.memory_space<vmem_shared>>
      %dma_wait3A_58 = arith.constant 0 : i32
      %dma_wait3A_59 = tpu.memref_slice %arg10[%add3A_12, %dma_wait3A_58] : memref<10240x128xf32, #tpu.memory_space<vmem_shared>> -> memref<128x128xf32, #tpu.memory_space<vmem_shared>>
      tpu.wait_dma2 semaphore(%run_scoped3A : memref<!tpu.dma_semaphore, #tpu.memory_space<semaphore_mem>>) src(%arg6 : memref<128x128xf32, #tpu.memory_space<vmem>>) dst(%dma_wait3A_59 : memref<128x128xf32, #tpu.memory_space<vmem_shared>>)
      tpu.yield
    }) : () -> ()
    %mul3A_13 = arith.constant 640 : i32
    %mul3A_14 = arith.muli %arg1, %mul3A_13 : i32
    %add3A_15 = arith.constant 256 : i32
    %add3A_16 = arith.addi %mul3A_14, %add3A_15 : i32
    "tpu.region"() ({
      %run_scoped3A = tpu.sem_alloc : memref<!tpu.dma_semaphore, #tpu.memory_space<semaphore_mem>>
      %dma_start3A_53 = arith.constant 0 : i32
      %dma_start3A_54 = tpu.memref_slice %arg10[%add3A_16, %dma_start3A_53] : memref<10240x128xf32, #tpu.memory_space<vmem_shared>> -> memref<128x128xf32, #tpu.memory_space<vmem_shared>>
      %dma_start3A_55 = arith.constant 0 : i32
      %dma_start3A_56 = tpu.memref_slice %arg10[%add3A_16, %dma_start3A_55] : memref<10240x128xf32, #tpu.memory_space<vmem_shared>> -> memref<128x128xf32, #tpu.memory_space<vmem_shared>>
      tpu.enqueue_dma source(%arg6 : memref<128x128xf32, #tpu.memory_space<vmem>>) target(%dma_start3A_56 : memref<128x128xf32, #tpu.memory_space<vmem_shared>>) target_semaphore(%run_scoped3A : memref<!tpu.dma_semaphore, #tpu.memory_space<semaphore_mem>>)
      %dma_wait3A = arith.constant 0 : i32
      %dma_wait3A_57 = tpu.memref_slice %arg10[%add3A_16, %dma_wait3A] : memref<10240x128xf32, #tpu.memory_space<vmem_shared>> -> memref<128x128xf32, #tpu.memory_space<vmem_shared>>
      %dma_wait3A_58 = arith.constant 0 : i32
      %dma_wait3A_59 = tpu.memref_slice %arg10[%add3A_16, %dma_wait3A_58] : memref<10240x128xf32, #tpu.memory_space<vmem_shared>> -> memref<128x128xf32, #tpu.memory_space<vmem_shared>>
      tpu.wait_dma2 semaphore(%run_scoped3A : memref<!tpu.dma_semaphore, #tpu.memory_space<semaphore_mem>>) src(%arg6 : memref<128x128xf32, #tpu.memory_space<vmem>>) dst(%dma_wait3A_59 : memref<128x128xf32, #tpu.memory_space<vmem_shared>>)
      tpu.yield
    }) : () -> ()
    %mul3A_17 = arith.constant 640 : i32
    %mul3A_18 = arith.muli %arg1, %mul3A_17 : i32
    %add3A_19 = arith.constant 384 : i32
    %add3A_20 = arith.addi %mul3A_18, %add3A_19 : i32
    "tpu.region"() ({
      %run_scoped3A = tpu.sem_alloc : memref<!tpu.dma_semaphore, #tpu.memory_space<semaphore_mem>>
      %dma_start3A_53 = arith.constant 0 : i32
      %dma_start3A_54 = tpu.memref_slice %arg10[%add3A_20, %dma_start3A_53] : memref<10240x128xf32, #tpu.memory_space<vmem_shared>> -> memref<128x128xf32, #tpu.memory_space<vmem_shared>>
      %dma_start3A_55 = arith.constant 0 : i32
      %dma_start3A_56 = tpu.memref_slice %arg10[%add3A_20, %dma_start3A_55] : memref<10240x128xf32, #tpu.memory_space<vmem_shared>> -> memref<128x128xf32, #tpu.memory_space<vmem_shared>>
      tpu.enqueue_dma source(%arg6 : memref<128x128xf32, #tpu.memory_space<vmem>>) target(%dma_start3A_56 : memref<128x128xf32, #tpu.memory_space<vmem_shared>>) target_semaphore(%run_scoped3A : memref<!tpu.dma_semaphore, #tpu.memory_space<semaphore_mem>>)
      %dma_wait3A = arith.constant 0 : i32
      %dma_wait3A_57 = tpu.memref_slice %arg10[%add3A_20, %dma_wait3A] : memref<10240x128xf32, #tpu.memory_space<vmem_shared>> -> memref<128x128xf32, #tpu.memory_space<vmem_shared>>
      %dma_wait3A_58 = arith.constant 0 : i32
      %dma_wait3A_59 = tpu.memref_slice %arg10[%add3A_20, %dma_wait3A_58] : memref<10240x128xf32, #tpu.memory_space<vmem_shared>> -> memref<128x128xf32, #tpu.memory_space<vmem_shared>>
      tpu.wait_dma2 semaphore(%run_scoped3A : memref<!tpu.dma_semaphore, #tpu.memory_space<semaphore_mem>>) src(%arg6 : memref<128x128xf32, #tpu.memory_space<vmem>>) dst(%dma_wait3A_59 : memref<128x128xf32, #tpu.memory_space<vmem_shared>>)
      tpu.yield
    }) : () -> ()
    %mul3A_21 = arith.constant 640 : i32
    %mul3A_22 = arith.muli %arg1, %mul3A_21 : i32
    %add3A_23 = arith.constant 512 : i32
    %add3A_24 = arith.addi %mul3A_22, %add3A_23 : i32
    "tpu.region"() ({
      %run_scoped3A = tpu.sem_alloc : memref<!tpu.dma_semaphore, #tpu.memory_space<semaphore_mem>>
      %dma_start3A_53 = arith.constant 0 : i32
      %dma_start3A_54 = tpu.memref_slice %arg10[%add3A_24, %dma_start3A_53] : memref<10240x128xf32, #tpu.memory_space<vmem_shared>> -> memref<128x128xf32, #tpu.memory_space<vmem_shared>>
      %dma_start3A_55 = arith.constant 0 : i32
      %dma_start3A_56 = tpu.memref_slice %arg10[%add3A_24, %dma_start3A_55] : memref<10240x128xf32, #tpu.memory_space<vmem_shared>> -> memref<128x128xf32, #tpu.memory_space<vmem_shared>>
      tpu.enqueue_dma source(%arg6 : memref<128x128xf32, #tpu.memory_space<vmem>>) target(%dma_start3A_56 : memref<128x128xf32, #tpu.memory_space<vmem_shared>>) target_semaphore(%run_scoped3A : memref<!tpu.dma_semaphore, #tpu.memory_space<semaphore_mem>>)
      %dma_wait3A = arith.constant 0 : i32
      %dma_wait3A_57 = tpu.memref_slice %arg10[%add3A_24, %dma_wait3A] : memref<10240x128xf32, #tpu.memory_space<vmem_shared>> -> memref<128x128xf32, #tpu.memory_space<vmem_shared>>
      %dma_wait3A_58 = arith.constant 0 : i32
      %dma_wait3A_59 = tpu.memref_slice %arg10[%add3A_24, %dma_wait3A_58] : memref<10240x128xf32, #tpu.memory_space<vmem_shared>> -> memref<128x128xf32, #tpu.memory_space<vmem_shared>>
      tpu.wait_dma2 semaphore(%run_scoped3A : memref<!tpu.dma_semaphore, #tpu.memory_space<semaphore_mem>>) src(%arg6 : memref<128x128xf32, #tpu.memory_space<vmem>>) dst(%dma_wait3A_59 : memref<128x128xf32, #tpu.memory_space<vmem_shared>>)
      tpu.yield
    }) : () -> ()
    %barrier3A = arith.constant 0 : index
    tpu.barrier barrier_id(%barrier3A)
    "tpu.region"() ({
      %run_scoped3A = tpu.sem_alloc : memref<!tpu.dma_semaphore, #tpu.memory_space<semaphore_mem>>
      %dma_start3A_53 = arith.constant 0 : i32
      %dma_start3A_54 = arith.constant 0 : i32
      %dma_start3A_55 = tpu.memref_slice %arg3[%add3A, %dma_start3A_53, %dma_start3A_54] : memref<32x80x128xi32, #tpu.memory_space<hbm>> -> memref<1x40x128xi32, #tpu.memory_space<hbm>>
      %dma_start3A_56 = tpu.memref_squeeze %dma_start3A_55 : memref<1x40x128xi32, #tpu.memory_space<hbm>> -> memref<40x128xi32, #tpu.memory_space<hbm>>
      %dma_start3A_57 = arith.constant 0 : i32
      %dma_start3A_58 = arith.constant 0 : i32
      %dma_start3A_59 = tpu.memref_slice %arg3[%add3A, %dma_start3A_57, %dma_start3A_58] : memref<32x80x128xi32, #tpu.memory_space<hbm>> -> memref<1x40x128xi32, #tpu.memory_space<hbm>>
      %dma_start3A_60 = tpu.memref_squeeze %dma_start3A_59 : memref<1x40x128xi32, #tpu.memory_space<hbm>> -> memref<40x128xi32, #tpu.memory_space<hbm>>
      tpu.enqueue_dma source(%dma_start3A_60 : memref<40x128xi32, #tpu.memory_space<hbm>>) target(%arg8 : memref<40x128xi32, #tpu.memory_space<vmem>>) target_semaphore(%run_scoped3A : memref<!tpu.dma_semaphore, #tpu.memory_space<semaphore_mem>>)
      %dma_wait3A = arith.constant 0 : i32
      %dma_wait3A_61 = arith.constant 0 : i32
      %dma_wait3A_62 = tpu.memref_slice %arg3[%add3A, %dma_wait3A, %dma_wait3A_61] : memref<32x80x128xi32, #tpu.memory_space<hbm>> -> memref<1x40x128xi32, #tpu.memory_space<hbm>>
      %dma_wait3A_63 = tpu.memref_squeeze %dma_wait3A_62 : memref<1x40x128xi32, #tpu.memory_space<hbm>> -> memref<40x128xi32, #tpu.memory_space<hbm>>
      %dma_wait3A_64 = arith.constant 0 : i32
      %dma_wait3A_65 = arith.constant 0 : i32
      %dma_wait3A_66 = tpu.memref_slice %arg3[%add3A, %dma_wait3A_64, %dma_wait3A_65] : memref<32x80x128xi32, #tpu.memory_space<hbm>> -> memref<1x40x128xi32, #tpu.memory_space<hbm>>
      %dma_wait3A_67 = tpu.memref_squeeze %dma_wait3A_66 : memref<1x40x128xi32, #tpu.memory_space<hbm>> -> memref<40x128xi32, #tpu.memory_space<hbm>>
      tpu.wait_dma2 semaphore(%run_scoped3A : memref<!tpu.dma_semaphore, #tpu.memory_space<semaphore_mem>>) src(%dma_wait3A_67 : memref<40x128xi32, #tpu.memory_space<hbm>>) dst(%arg8 : memref<40x128xi32, #tpu.memory_space<vmem>>)
      tpu.yield
    }) : () -> ()
    "tpu.region"() ({
      %run_scoped3A = tpu.sem_alloc : memref<!tpu.dma_semaphore, #tpu.memory_space<semaphore_mem>>
      %dma_start3A_53 = arith.constant 0 : i32
      %dma_start3A_54 = arith.constant 0 : i32
      %dma_start3A_55 = tpu.memref_slice %arg4[%add3A, %dma_start3A_53, %dma_start3A_54] : memref<32x80x128xi32, #tpu.memory_space<hbm>> -> memref<1x40x128xi32, #tpu.memory_space<hbm>>
      %dma_start3A_56 = tpu.memref_squeeze %dma_start3A_55 : memref<1x40x128xi32, #tpu.memory_space<hbm>> -> memref<40x128xi32, #tpu.memory_space<hbm>>
      %dma_start3A_57 = arith.constant 0 : i32
      %dma_start3A_58 = arith.constant 0 : i32
      %dma_start3A_59 = tpu.memref_slice %arg4[%add3A, %dma_start3A_57, %dma_start3A_58] : memref<32x80x128xi32, #tpu.memory_space<hbm>> -> memref<1x40x128xi32, #tpu.memory_space<hbm>>
      %dma_start3A_60 = tpu.memref_squeeze %dma_start3A_59 : memref<1x40x128xi32, #tpu.memory_space<hbm>> -> memref<40x128xi32, #tpu.memory_space<hbm>>
      tpu.enqueue_dma source(%dma_start3A_60 : memref<40x128xi32, #tpu.memory_space<hbm>>) target(%arg9 : memref<40x128xi32, #tpu.memory_space<vmem>>) target_semaphore(%run_scoped3A : memref<!tpu.dma_semaphore, #tpu.memory_space<semaphore_mem>>)
      %dma_wait3A = arith.constant 0 : i32
      %dma_wait3A_61 = arith.constant 0 : i32
      %dma_wait3A_62 = tpu.memref_slice %arg4[%add3A, %dma_wait3A, %dma_wait3A_61] : memref<32x80x128xi32, #tpu.memory_space<hbm>> -> memref<1x40x128xi32, #tpu.memory_space<hbm>>
      %dma_wait3A_63 = tpu.memref_squeeze %dma_wait3A_62 : memref<1x40x128xi32, #tpu.memory_space<hbm>> -> memref<40x128xi32, #tpu.memory_space<hbm>>
      %dma_wait3A_64 = arith.constant 0 : i32
      %dma_wait3A_65 = arith.constant 0 : i32
      %dma_wait3A_66 = tpu.memref_slice %arg4[%add3A, %dma_wait3A_64, %dma_wait3A_65] : memref<32x80x128xi32, #tpu.memory_space<hbm>> -> memref<1x40x128xi32, #tpu.memory_space<hbm>>
      %dma_wait3A_67 = tpu.memref_squeeze %dma_wait3A_66 : memref<1x40x128xi32, #tpu.memory_space<hbm>> -> memref<40x128xi32, #tpu.memory_space<hbm>>
      tpu.wait_dma2 semaphore(%run_scoped3A : memref<!tpu.dma_semaphore, #tpu.memory_space<semaphore_mem>>) src(%dma_wait3A_67 : memref<40x128xi32, #tpu.memory_space<hbm>>) dst(%arg9 : memref<40x128xi32, #tpu.memory_space<vmem>>)
      tpu.yield
    }) : () -> ()
    %dma_start3A = arith.constant 0 : i32
    %dma_start3A_25 = arith.constant 0 : i32
    %dma_start3A_26 = tpu.memref_slice %arg8[%dma_start3A, %dma_start3A_25] : memref<40x128xi32, #tpu.memory_space<vmem>> -> memref<1x128xi32, #tpu.memory_space<vmem>>
    %dma_start3A_27 = tpu.memref_squeeze %dma_start3A_26 : memref<1x128xi32, #tpu.memory_space<vmem>> -> memref<128xi32, #tpu.memory_space<vmem>>
    %dma_start3A_28 = arith.constant 0 : i32
    %dma_start3A_29 = arith.constant 0 : i32
    %dma_start3A_30 = tpu.memref_slice %arg2[%dma_start3A_28, %dma_start3A_29] : memref<10000x128xf32, #tpu.memory_space<hbm>> -> memref<10000x128xf32, #tpu.memory_space<hbm>>
    tpu.enqueue_indirect_dma source(%dma_start3A_30 : memref<10000x128xf32, #tpu.memory_space<hbm>>) target(%arg6 : memref<128x128xf32, #tpu.memory_space<vmem>>) offsets(%dma_start3A_27 : memref<128xi32, #tpu.memory_space<vmem>>) semaphore(%arg11 : memref<!tpu.dma_semaphore, #tpu.memory_space<semaphore_mem>>)
    %scan3A_31 = arith.constant 0 : i32
    %scan3A_32 = arith.constant 20 : i32
    %scan3A_33 = arith.addi %scan3A_31, %scan3A_32 : i32
    %scan3A_34 = arith.constant 1 : i32
    scf.for %scan3A_53 = %scan3A_31 to %scan3A_33 step %scan3A_34  : i32 {
      %mul3A_54 = arith.constant 2 : i32
      %mul3A_55 = arith.muli %scan3A_53, %mul3A_54 : i32
      %add3A_56 = arith.constant 0 : i32
      %add3A_57 = arith.addi %add3A_56, %mul3A_55 : i32
      %add3A_58 = arith.constant 1 : i32
      %add3A_59 = arith.addi %add3A_57, %add3A_58 : i32
      %dma_start3A_60 = arith.constant 0 : i32
      %dma_start3A_61 = tpu.memref_slice %arg8[%add3A_59, %dma_start3A_60] : memref<40x128xi32, #tpu.memory_space<vmem>> -> memref<1x128xi32, #tpu.memory_space<vmem>>
      %dma_start3A_62 = tpu.memref_squeeze %dma_start3A_61 : memref<1x128xi32, #tpu.memory_space<vmem>> -> memref<128xi32, #tpu.memory_space<vmem>>
      %dma_start3A_63 = arith.constant 0 : i32
      %dma_start3A_64 = arith.constant 0 : i32
      %dma_start3A_65 = tpu.memref_slice %arg2[%dma_start3A_63, %dma_start3A_64] : memref<10000x128xf32, #tpu.memory_space<hbm>> -> memref<10000x128xf32, #tpu.memory_space<hbm>>
      tpu.enqueue_indirect_dma source(%dma_start3A_65 : memref<10000x128xf32, #tpu.memory_space<hbm>>) target(%arg7 : memref<128x128xf32, #tpu.memory_space<vmem>>) offsets(%dma_start3A_62 : memref<128xi32, #tpu.memory_space<vmem>>) semaphore(%arg12 : memref<!tpu.dma_semaphore, #tpu.memory_space<semaphore_mem>>)
      %dma_wait3A = arith.constant 0 : i32
      %dma_wait3A_66 = arith.constant 0 : i32
      %dma_wait3A_67 = tpu.memref_slice %arg2[%dma_wait3A, %dma_wait3A_66] : memref<10000x128xf32, #tpu.memory_space<hbm>> -> memref<128x128xf32, #tpu.memory_space<hbm>>
      %dma_wait3A_68 = arith.constant 0 : i32
      %dma_wait3A_69 = arith.constant 0 : i32
      %dma_wait3A_70 = tpu.memref_slice %arg2[%dma_wait3A_68, %dma_wait3A_69] : memref<10000x128xf32, #tpu.memory_space<hbm>> -> memref<128x128xf32, #tpu.memory_space<hbm>>
      tpu.wait_dma2 semaphore(%arg11 : memref<!tpu.dma_semaphore, #tpu.memory_space<semaphore_mem>>) src(%dma_wait3A_70 : memref<128x128xf32, #tpu.memory_space<hbm>>) dst(%arg6 : memref<128x128xf32, #tpu.memory_space<vmem>>)
      "tpu.region"() ({
        %run_scoped3A = tpu.sem_alloc : memref<!tpu.dma_semaphore, #tpu.memory_space<semaphore_mem>>
        %dma_start3A_83 = arith.constant 0 : i32
        %dma_start3A_84 = tpu.memref_slice %arg9[%add3A_57, %dma_start3A_83] : memref<40x128xi32, #tpu.memory_space<vmem>> -> memref<1x128xi32, #tpu.memory_space<vmem>>
        %dma_start3A_85 = tpu.memref_squeeze %dma_start3A_84 : memref<1x128xi32, #tpu.memory_space<vmem>> -> memref<128xi32, #tpu.memory_space<vmem>>
        %dma_start3A_86 = arith.constant 0 : i32
        %dma_start3A_87 = arith.constant 0 : i32
        %dma_start3A_88 = tpu.memref_slice %arg10[%dma_start3A_86, %dma_start3A_87] : memref<10240x128xf32, #tpu.memory_space<vmem_shared>> -> memref<10240x128xf32, #tpu.memory_space<vmem_shared>>
        tpu.enqueue_indirect_dma source(%arg6 : memref<128x128xf32, #tpu.memory_space<vmem>>) target(%dma_start3A_88 : memref<10240x128xf32, #tpu.memory_space<vmem_shared>>) offsets(%dma_start3A_85 : memref<128xi32, #tpu.memory_space<vmem>>) semaphore(%run_scoped3A : memref<!tpu.dma_semaphore, #tpu.memory_space<semaphore_mem>>) {add = true}
        %dma_wait3A_89 = arith.constant 0 : i32
        %dma_wait3A_90 = tpu.memref_slice %arg9[%add3A_57, %dma_wait3A_89] : memref<40x128xi32, #tpu.memory_space<vmem>> -> memref<1x128xi32, #tpu.memory_space<vmem>>
        %dma_wait3A_91 = tpu.memref_squeeze %dma_wait3A_90 : memref<1x128xi32, #tpu.memory_space<vmem>> -> memref<128xi32, #tpu.memory_space<vmem>>
        %dma_wait3A_92 = arith.constant 0 : i32
        %dma_wait3A_93 = arith.constant 0 : i32
        %dma_wait3A_94 = tpu.memref_slice %arg10[%dma_wait3A_92, %dma_wait3A_93] : memref<10240x128xf32, #tpu.memory_space<vmem_shared>> -> memref<10240x128xf32, #tpu.memory_space<vmem_shared>>
        tpu.wait_indirect_dma semaphore(%run_scoped3A : memref<!tpu.dma_semaphore, #tpu.memory_space<semaphore_mem>>) src(%arg6 : memref<128x128xf32, #tpu.memory_space<vmem>>) dst(%dma_wait3A_94 : memref<10240x128xf32, #tpu.memory_space<vmem_shared>>)
        tpu.yield
      }) : () -> ()
      %add3A_71 = arith.constant 2 : i32
      %add3A_72 = arith.addi %add3A_57, %add3A_71 : i32
      %lt3A = arith.constant 40 : i32
      %lt3A_73 = arith.cmpi slt, %add3A_72, %lt3A : i32
      %convert_element_type3A = arith.extui %lt3A_73 : i1 to i32
      %cond3A = arith.constant 0 : i32
      %cond3A_74 = arith.cmpi ne, %convert_element_type3A, %cond3A : i32
      scf.if %cond3A_74 {
        %add3A_83 = arith.constant 2 : i32
        %add3A_84 = arith.addi %add3A_57, %add3A_83 : i32
        %dma_start3A_85 = arith.constant 0 : i32
        %dma_start3A_86 = tpu.memref_slice %arg8[%add3A_84, %dma_start3A_85] : memref<40x128xi32, #tpu.memory_space<vmem>> -> memref<1x128xi32, #tpu.memory_space<vmem>>
        %dma_start3A_87 = tpu.memref_squeeze %dma_start3A_86 : memref<1x128xi32, #tpu.memory_space<vmem>> -> memref<128xi32, #tpu.memory_space<vmem>>
        %dma_start3A_88 = arith.constant 0 : i32
        %dma_start3A_89 = arith.constant 0 : i32
        %dma_start3A_90 = tpu.memref_slice %arg2[%dma_start3A_88, %dma_start3A_89] : memref<10000x128xf32, #tpu.memory_space<hbm>> -> memref<10000x128xf32, #tpu.memory_space<hbm>>
        tpu.enqueue_indirect_dma source(%dma_start3A_90 : memref<10000x128xf32, #tpu.memory_space<hbm>>) target(%arg6 : memref<128x128xf32, #tpu.memory_space<vmem>>) offsets(%dma_start3A_87 : memref<128xi32, #tpu.memory_space<vmem>>) semaphore(%arg11 : memref<!tpu.dma_semaphore, #tpu.memory_space<semaphore_mem>>)
      } else {
      }
      %dma_wait3A_75 = arith.constant 0 : i32
      %dma_wait3A_76 = arith.constant 0 : i32
      %dma_wait3A_77 = tpu.memref_slice %arg2[%dma_wait3A_75, %dma_wait3A_76] : memref<10000x128xf32, #tpu.memory_space<hbm>> -> memref<128x128xf32, #tpu.memory_space<hbm>>
      %dma_wait3A_78 = arith.constant 0 : i32
      %dma_wait3A_79 = arith.constant 0 : i32
      %dma_wait3A_80 = tpu.memref_slice %arg2[%dma_wait3A_78, %dma_wait3A_79] : memref<10000x128xf32, #tpu.memory_space<hbm>> -> memref<128x128xf32, #tpu.memory_space<hbm>>
      tpu.wait_dma2 semaphore(%arg12 : memref<!tpu.dma_semaphore, #tpu.memory_space<semaphore_mem>>) src(%dma_wait3A_80 : memref<128x128xf32, #tpu.memory_space<hbm>>) dst(%arg7 : memref<128x128xf32, #tpu.memory_space<vmem>>)
      %add3A_81 = arith.constant 1 : i32
      %add3A_82 = arith.addi %add3A_57, %add3A_81 : i32
      "tpu.region"() ({
        %run_scoped3A = tpu.sem_alloc : memref<!tpu.dma_semaphore, #tpu.memory_space<semaphore_mem>>
        %dma_start3A_83 = arith.constant 0 : i32
        %dma_start3A_84 = tpu.memref_slice %arg9[%add3A_82, %dma_start3A_83] : memref<40x128xi32, #tpu.memory_space<vmem>> -> memref<1x128xi32, #tpu.memory_space<vmem>>
        %dma_start3A_85 = tpu.memref_squeeze %dma_start3A_84 : memref<1x128xi32, #tpu.memory_space<vmem>> -> memref<128xi32, #tpu.memory_space<vmem>>
        %dma_start3A_86 = arith.constant 0 : i32
        %dma_start3A_87 = arith.constant 0 : i32
        %dma_start3A_88 = tpu.memref_slice %arg10[%dma_start3A_86, %dma_start3A_87] : memref<10240x128xf32, #tpu.memory_space<vmem_shared>> -> memref<10240x128xf32, #tpu.memory_space<vmem_shared>>
        tpu.enqueue_indirect_dma source(%arg7 : memref<128x128xf32, #tpu.memory_space<vmem>>) target(%dma_start3A_88 : memref<10240x128xf32, #tpu.memory_space<vmem_shared>>) offsets(%dma_start3A_85 : memref<128xi32, #tpu.memory_space<vmem>>) semaphore(%run_scoped3A : memref<!tpu.dma_semaphore, #tpu.memory_space<semaphore_mem>>) {add = true}
        %dma_wait3A_89 = arith.constant 0 : i32
        %dma_wait3A_90 = tpu.memref_slice %arg9[%add3A_82, %dma_wait3A_89] : memref<40x128xi32, #tpu.memory_space<vmem>> -> memref<1x128xi32, #tpu.memory_space<vmem>>
        %dma_wait3A_91 = tpu.memref_squeeze %dma_wait3A_90 : memref<1x128xi32, #tpu.memory_space<vmem>> -> memref<128xi32, #tpu.memory_space<vmem>>
        %dma_wait3A_92 = arith.constant 0 : i32
        %dma_wait3A_93 = arith.constant 0 : i32
        %dma_wait3A_94 = tpu.memref_slice %arg10[%dma_wait3A_92, %dma_wait3A_93] : memref<10240x128xf32, #tpu.memory_space<vmem_shared>> -> memref<10240x128xf32, #tpu.memory_space<vmem_shared>>
        tpu.wait_indirect_dma semaphore(%run_scoped3A : memref<!tpu.dma_semaphore, #tpu.memory_space<semaphore_mem>>) src(%arg7 : memref<128x128xf32, #tpu.memory_space<vmem>>) dst(%dma_wait3A_94 : memref<10240x128xf32, #tpu.memory_space<vmem_shared>>)
        tpu.yield
      }) : () -> ()
    }
    %scan3A_35 = arith.constant 20 : i32
    "tpu.region"() ({
      %run_scoped3A = tpu.sem_alloc : memref<!tpu.dma_semaphore, #tpu.memory_space<semaphore_mem>>
      %dma_start3A_53 = arith.constant 40 : i32
      %dma_start3A_54 = arith.constant 0 : i32
      %dma_start3A_55 = tpu.memref_slice %arg3[%add3A, %dma_start3A_53, %dma_start3A_54] : memref<32x80x128xi32, #tpu.memory_space<hbm>> -> memref<1x40x128xi32, #tpu.memory_space<hbm>>
      %dma_start3A_56 = tpu.memref_squeeze %dma_start3A_55 : memref<1x40x128xi32, #tpu.memory_space<hbm>> -> memref<40x128xi32, #tpu.memory_space<hbm>>
      %dma_start3A_57 = arith.constant 40 : i32
      %dma_start3A_58 = arith.constant 0 : i32
      %dma_start3A_59 = tpu.memref_slice %arg3[%add3A, %dma_start3A_57, %dma_start3A_58] : memref<32x80x128xi32, #tpu.memory_space<hbm>> -> memref<1x40x128xi32, #tpu.memory_space<hbm>>
      %dma_start3A_60 = tpu.memref_squeeze %dma_start3A_59 : memref<1x40x128xi32, #tpu.memory_space<hbm>> -> memref<40x128xi32, #tpu.memory_space<hbm>>
      tpu.enqueue_dma source(%dma_start3A_60 : memref<40x128xi32, #tpu.memory_space<hbm>>) target(%arg8 : memref<40x128xi32, #tpu.memory_space<vmem>>) target_semaphore(%run_scoped3A : memref<!tpu.dma_semaphore, #tpu.memory_space<semaphore_mem>>)
      %dma_wait3A = arith.constant 40 : i32
      %dma_wait3A_61 = arith.constant 0 : i32
      %dma_wait3A_62 = tpu.memref_slice %arg3[%add3A, %dma_wait3A, %dma_wait3A_61] : memref<32x80x128xi32, #tpu.memory_space<hbm>> -> memref<1x40x128xi32, #tpu.memory_space<hbm>>
      %dma_wait3A_63 = tpu.memref_squeeze %dma_wait3A_62 : memref<1x40x128xi32, #tpu.memory_space<hbm>> -> memref<40x128xi32, #tpu.memory_space<hbm>>
      %dma_wait3A_64 = arith.constant 40 : i32
      %dma_wait3A_65 = arith.constant 0 : i32
      %dma_wait3A_66 = tpu.memref_slice %arg3[%add3A, %dma_wait3A_64, %dma_wait3A_65] : memref<32x80x128xi32, #tpu.memory_space<hbm>> -> memref<1x40x128xi32, #tpu.memory_space<hbm>>
      %dma_wait3A_67 = tpu.memref_squeeze %dma_wait3A_66 : memref<1x40x128xi32, #tpu.memory_space<hbm>> -> memref<40x128xi32, #tpu.memory_space<hbm>>
      tpu.wait_dma2 semaphore(%run_scoped3A : memref<!tpu.dma_semaphore, #tpu.memory_space<semaphore_mem>>) src(%dma_wait3A_67 : memref<40x128xi32, #tpu.memory_space<hbm>>) dst(%arg8 : memref<40x128xi32, #tpu.memory_space<vmem>>)
      tpu.yield
    }) : () -> ()
    "tpu.region"() ({
      %run_scoped3A = tpu.sem_alloc : memref<!tpu.dma_semaphore, #tpu.memory_space<semaphore_mem>>
      %dma_start3A_53 = arith.constant 40 : i32
      %dma_start3A_54 = arith.constant 0 : i32
      %dma_start3A_55 = tpu.memref_slice %arg4[%add3A, %dma_start3A_53, %dma_start3A_54] : memref<32x80x128xi32, #tpu.memory_space<hbm>> -> memref<1x40x128xi32, #tpu.memory_space<hbm>>
      %dma_start3A_56 = tpu.memref_squeeze %dma_start3A_55 : memref<1x40x128xi32, #tpu.memory_space<hbm>> -> memref<40x128xi32, #tpu.memory_space<hbm>>
      %dma_start3A_57 = arith.constant 40 : i32
      %dma_start3A_58 = arith.constant 0 : i32
      %dma_start3A_59 = tpu.memref_slice %arg4[%add3A, %dma_start3A_57, %dma_start3A_58] : memref<32x80x128xi32, #tpu.memory_space<hbm>> -> memref<1x40x128xi32, #tpu.memory_space<hbm>>
      %dma_start3A_60 = tpu.memref_squeeze %dma_start3A_59 : memref<1x40x128xi32, #tpu.memory_space<hbm>> -> memref<40x128xi32, #tpu.memory_space<hbm>>
      tpu.enqueue_dma source(%dma_start3A_60 : memref<40x128xi32, #tpu.memory_space<hbm>>) target(%arg9 : memref<40x128xi32, #tpu.memory_space<vmem>>) target_semaphore(%run_scoped3A : memref<!tpu.dma_semaphore, #tpu.memory_space<semaphore_mem>>)
      %dma_wait3A = arith.constant 40 : i32
      %dma_wait3A_61 = arith.constant 0 : i32
      %dma_wait3A_62 = tpu.memref_slice %arg4[%add3A, %dma_wait3A, %dma_wait3A_61] : memref<32x80x128xi32, #tpu.memory_space<hbm>> -> memref<1x40x128xi32, #tpu.memory_space<hbm>>
      %dma_wait3A_63 = tpu.memref_squeeze %dma_wait3A_62 : memref<1x40x128xi32, #tpu.memory_space<hbm>> -> memref<40x128xi32, #tpu.memory_space<hbm>>
      %dma_wait3A_64 = arith.constant 40 : i32
      %dma_wait3A_65 = arith.constant 0 : i32
      %dma_wait3A_66 = tpu.memref_slice %arg4[%add3A, %dma_wait3A_64, %dma_wait3A_65] : memref<32x80x128xi32, #tpu.memory_space<hbm>> -> memref<1x40x128xi32, #tpu.memory_space<hbm>>
      %dma_wait3A_67 = tpu.memref_squeeze %dma_wait3A_66 : memref<1x40x128xi32, #tpu.memory_space<hbm>> -> memref<40x128xi32, #tpu.memory_space<hbm>>
      tpu.wait_dma2 semaphore(%run_scoped3A : memref<!tpu.dma_semaphore, #tpu.memory_space<semaphore_mem>>) src(%dma_wait3A_67 : memref<40x128xi32, #tpu.memory_space<hbm>>) dst(%arg9 : memref<40x128xi32, #tpu.memory_space<vmem>>)
      tpu.yield
    }) : () -> ()
    %dma_start3A_36 = arith.constant 0 : i32
    %dma_start3A_37 = arith.constant 0 : i32
    %dma_start3A_38 = tpu.memref_slice %arg8[%dma_start3A_36, %dma_start3A_37] : memref<40x128xi32, #tpu.memory_space<vmem>> -> memref<1x128xi32, #tpu.memory_space<vmem>>
    %dma_start3A_39 = tpu.memref_squeeze %dma_start3A_38 : memref<1x128xi32, #tpu.memory_space<vmem>> -> memref<128xi32, #tpu.memory_space<vmem>>
    %dma_start3A_40 = arith.constant 0 : i32
    %dma_start3A_41 = arith.constant 0 : i32
    %dma_start3A_42 = tpu.memref_slice %arg2[%dma_start3A_40, %dma_start3A_41] : memref<10000x128xf32, #tpu.memory_space<hbm>> -> memref<10000x128xf32, #tpu.memory_space<hbm>>
    tpu.enqueue_indirect_dma source(%dma_start3A_42 : memref<10000x128xf32, #tpu.memory_space<hbm>>) target(%arg6 : memref<128x128xf32, #tpu.memory_space<vmem>>) offsets(%dma_start3A_39 : memref<128xi32, #tpu.memory_space<vmem>>) semaphore(%arg11 : memref<!tpu.dma_semaphore, #tpu.memory_space<semaphore_mem>>)
    %scan3A_43 = arith.constant 0 : i32
    %scan3A_44 = arith.constant 20 : i32
    %scan3A_45 = arith.addi %scan3A_43, %scan3A_44 : i32
    %scan3A_46 = arith.constant 1 : i32
    scf.for %scan3A_53 = %scan3A_43 to %scan3A_45 step %scan3A_46  : i32 {
      %mul3A_54 = arith.constant 2 : i32
      %mul3A_55 = arith.muli %scan3A_53, %mul3A_54 : i32
      %add3A_56 = arith.constant 0 : i32
      %add3A_57 = arith.addi %add3A_56, %mul3A_55 : i32
      %add3A_58 = arith.constant 1 : i32
      %add3A_59 = arith.addi %add3A_57, %add3A_58 : i32
      %dma_start3A_60 = arith.constant 0 : i32
      %dma_start3A_61 = tpu.memref_slice %arg8[%add3A_59, %dma_start3A_60] : memref<40x128xi32, #tpu.memory_space<vmem>> -> memref<1x128xi32, #tpu.memory_space<vmem>>
      %dma_start3A_62 = tpu.memref_squeeze %dma_start3A_61 : memref<1x128xi32, #tpu.memory_space<vmem>> -> memref<128xi32, #tpu.memory_space<vmem>>
      %dma_start3A_63 = arith.constant 0 : i32
      %dma_start3A_64 = arith.constant 0 : i32
      %dma_start3A_65 = tpu.memref_slice %arg2[%dma_start3A_63, %dma_start3A_64] : memref<10000x128xf32, #tpu.memory_space<hbm>> -> memref<10000x128xf32, #tpu.memory_space<hbm>>
      tpu.enqueue_indirect_dma source(%dma_start3A_65 : memref<10000x128xf32, #tpu.memory_space<hbm>>) target(%arg7 : memref<128x128xf32, #tpu.memory_space<vmem>>) offsets(%dma_start3A_62 : memref<128xi32, #tpu.memory_space<vmem>>) semaphore(%arg12 : memref<!tpu.dma_semaphore, #tpu.memory_space<semaphore_mem>>)
      %dma_wait3A = arith.constant 0 : i32
      %dma_wait3A_66 = arith.constant 0 : i32
      %dma_wait3A_67 = tpu.memref_slice %arg2[%dma_wait3A, %dma_wait3A_66] : memref<10000x128xf32, #tpu.memory_space<hbm>> -> memref<128x128xf32, #tpu.memory_space<hbm>>
      %dma_wait3A_68 = arith.constant 0 : i32
      %dma_wait3A_69 = arith.constant 0 : i32
      %dma_wait3A_70 = tpu.memref_slice %arg2[%dma_wait3A_68, %dma_wait3A_69] : memref<10000x128xf32, #tpu.memory_space<hbm>> -> memref<128x128xf32, #tpu.memory_space<hbm>>
      tpu.wait_dma2 semaphore(%arg11 : memref<!tpu.dma_semaphore, #tpu.memory_space<semaphore_mem>>) src(%dma_wait3A_70 : memref<128x128xf32, #tpu.memory_space<hbm>>) dst(%arg6 : memref<128x128xf32, #tpu.memory_space<vmem>>)
      "tpu.region"() ({
        %run_scoped3A = tpu.sem_alloc : memref<!tpu.dma_semaphore, #tpu.memory_space<semaphore_mem>>
        %dma_start3A_83 = arith.constant 0 : i32
        %dma_start3A_84 = tpu.memref_slice %arg9[%add3A_57, %dma_start3A_83] : memref<40x128xi32, #tpu.memory_space<vmem>> -> memref<1x128xi32, #tpu.memory_space<vmem>>
        %dma_start3A_85 = tpu.memref_squeeze %dma_start3A_84 : memref<1x128xi32, #tpu.memory_space<vmem>> -> memref<128xi32, #tpu.memory_space<vmem>>
        %dma_start3A_86 = arith.constant 0 : i32
        %dma_start3A_87 = arith.constant 0 : i32
        %dma_start3A_88 = tpu.memref_slice %arg10[%dma_start3A_86, %dma_start3A_87] : memref<10240x128xf32, #tpu.memory_space<vmem_shared>> -> memref<10240x128xf32, #tpu.memory_space<vmem_shared>>
        tpu.enqueue_indirect_dma source(%arg6 : memref<128x128xf32, #tpu.memory_space<vmem>>) target(%dma_start3A_88 : memref<10240x128xf32, #tpu.memory_space<vmem_shared>>) offsets(%dma_start3A_85 : memref<128xi32, #tpu.memory_space<vmem>>) semaphore(%run_scoped3A : memref<!tpu.dma_semaphore, #tpu.memory_space<semaphore_mem>>) {add = true}
        %dma_wait3A_89 = arith.constant 0 : i32
        %dma_wait3A_90 = tpu.memref_slice %arg9[%add3A_57, %dma_wait3A_89] : memref<40x128xi32, #tpu.memory_space<vmem>> -> memref<1x128xi32, #tpu.memory_space<vmem>>
        %dma_wait3A_91 = tpu.memref_squeeze %dma_wait3A_90 : memref<1x128xi32, #tpu.memory_space<vmem>> -> memref<128xi32, #tpu.memory_space<vmem>>
        %dma_wait3A_92 = arith.constant 0 : i32
        %dma_wait3A_93 = arith.constant 0 : i32
        %dma_wait3A_94 = tpu.memref_slice %arg10[%dma_wait3A_92, %dma_wait3A_93] : memref<10240x128xf32, #tpu.memory_space<vmem_shared>> -> memref<10240x128xf32, #tpu.memory_space<vmem_shared>>
        tpu.wait_indirect_dma semaphore(%run_scoped3A : memref<!tpu.dma_semaphore, #tpu.memory_space<semaphore_mem>>) src(%arg6 : memref<128x128xf32, #tpu.memory_space<vmem>>) dst(%dma_wait3A_94 : memref<10240x128xf32, #tpu.memory_space<vmem_shared>>)
        tpu.yield
      }) : () -> ()
      %add3A_71 = arith.constant 2 : i32
      %add3A_72 = arith.addi %add3A_57, %add3A_71 : i32
      %lt3A = arith.constant 40 : i32
      %lt3A_73 = arith.cmpi slt, %add3A_72, %lt3A : i32
      %convert_element_type3A = arith.extui %lt3A_73 : i1 to i32
      %cond3A = arith.constant 0 : i32
      %cond3A_74 = arith.cmpi ne, %convert_element_type3A, %cond3A : i32
      scf.if %cond3A_74 {
        %add3A_83 = arith.constant 2 : i32
        %add3A_84 = arith.addi %add3A_57, %add3A_83 : i32
        %dma_start3A_85 = arith.constant 0 : i32
        %dma_start3A_86 = tpu.memref_slice %arg8[%add3A_84, %dma_start3A_85] : memref<40x128xi32, #tpu.memory_space<vmem>> -> memref<1x128xi32, #tpu.memory_space<vmem>>
        %dma_start3A_87 = tpu.memref_squeeze %dma_start3A_86 : memref<1x128xi32, #tpu.memory_space<vmem>> -> memref<128xi32, #tpu.memory_space<vmem>>
        %dma_start3A_88 = arith.constant 0 : i32
        %dma_start3A_89 = arith.constant 0 : i32
        %dma_start3A_90 = tpu.memref_slice %arg2[%dma_start3A_88, %dma_start3A_89] : memref<10000x128xf32, #tpu.memory_space<hbm>> -> memref<10000x128xf32, #tpu.memory_space<hbm>>
        tpu.enqueue_indirect_dma source(%dma_start3A_90 : memref<10000x128xf32, #tpu.memory_space<hbm>>) target(%arg6 : memref<128x128xf32, #tpu.memory_space<vmem>>) offsets(%dma_start3A_87 : memref<128xi32, #tpu.memory_space<vmem>>) semaphore(%arg11 : memref<!tpu.dma_semaphore, #tpu.memory_space<semaphore_mem>>)
      } else {
      }
      %dma_wait3A_75 = arith.constant 0 : i32
      %dma_wait3A_76 = arith.constant 0 : i32
      %dma_wait3A_77 = tpu.memref_slice %arg2[%dma_wait3A_75, %dma_wait3A_76] : memref<10000x128xf32, #tpu.memory_space<hbm>> -> memref<128x128xf32, #tpu.memory_space<hbm>>
      %dma_wait3A_78 = arith.constant 0 : i32
      %dma_wait3A_79 = arith.constant 0 : i32
      %dma_wait3A_80 = tpu.memref_slice %arg2[%dma_wait3A_78, %dma_wait3A_79] : memref<10000x128xf32, #tpu.memory_space<hbm>> -> memref<128x128xf32, #tpu.memory_space<hbm>>
      tpu.wait_dma2 semaphore(%arg12 : memref<!tpu.dma_semaphore, #tpu.memory_space<semaphore_mem>>) src(%dma_wait3A_80 : memref<128x128xf32, #tpu.memory_space<hbm>>) dst(%arg7 : memref<128x128xf32, #tpu.memory_space<vmem>>)
      %add3A_81 = arith.constant 1 : i32
      %add3A_82 = arith.addi %add3A_57, %add3A_81 : i32
      "tpu.region"() ({
        %run_scoped3A = tpu.sem_alloc : memref<!tpu.dma_semaphore, #tpu.memory_space<semaphore_mem>>
        %dma_start3A_83 = arith.constant 0 : i32
        %dma_start3A_84 = tpu.memref_slice %arg9[%add3A_82, %dma_start3A_83] : memref<40x128xi32, #tpu.memory_space<vmem>> -> memref<1x128xi32, #tpu.memory_space<vmem>>
        %dma_start3A_85 = tpu.memref_squeeze %dma_start3A_84 : memref<1x128xi32, #tpu.memory_space<vmem>> -> memref<128xi32, #tpu.memory_space<vmem>>
        %dma_start3A_86 = arith.constant 0 : i32
        %dma_start3A_87 = arith.constant 0 : i32
        %dma_start3A_88 = tpu.memref_slice %arg10[%dma_start3A_86, %dma_start3A_87] : memref<10240x128xf32, #tpu.memory_space<vmem_shared>> -> memref<10240x128xf32, #tpu.memory_space<vmem_shared>>
        tpu.enqueue_indirect_dma source(%arg7 : memref<128x128xf32, #tpu.memory_space<vmem>>) target(%dma_start3A_88 : memref<10240x128xf32, #tpu.memory_space<vmem_shared>>) offsets(%dma_start3A_85 : memref<128xi32, #tpu.memory_space<vmem>>) semaphore(%run_scoped3A : memref<!tpu.dma_semaphore, #tpu.memory_space<semaphore_mem>>) {add = true}
        %dma_wait3A_89 = arith.constant 0 : i32
        %dma_wait3A_90 = tpu.memref_slice %arg9[%add3A_82, %dma_wait3A_89] : memref<40x128xi32, #tpu.memory_space<vmem>> -> memref<1x128xi32, #tpu.memory_space<vmem>>
        %dma_wait3A_91 = tpu.memref_squeeze %dma_wait3A_90 : memref<1x128xi32, #tpu.memory_space<vmem>> -> memref<128xi32, #tpu.memory_space<vmem>>
        %dma_wait3A_92 = arith.constant 0 : i32
        %dma_wait3A_93 = arith.constant 0 : i32
        %dma_wait3A_94 = tpu.memref_slice %arg10[%dma_wait3A_92, %dma_wait3A_93] : memref<10240x128xf32, #tpu.memory_space<vmem_shared>> -> memref<10240x128xf32, #tpu.memory_space<vmem_shared>>
        tpu.wait_indirect_dma semaphore(%run_scoped3A : memref<!tpu.dma_semaphore, #tpu.memory_space<semaphore_mem>>) src(%arg7 : memref<128x128xf32, #tpu.memory_space<vmem>>) dst(%dma_wait3A_94 : memref<10240x128xf32, #tpu.memory_space<vmem_shared>>)
        tpu.yield
      }) : () -> ()
    }
    %scan3A_47 = arith.constant 20 : i32
    %barrier3A_48 = arith.constant 0 : index
    tpu.barrier barrier_id(%barrier3A_48)
    %mul3A_49 = arith.constant 640 : i32
    %mul3A_50 = arith.muli %arg1, %mul3A_49 : i32
    %mul3A_51 = arith.constant 640 : i32
    %mul3A_52 = arith.muli %arg1, %mul3A_51 : i32
    "tpu.region"() ({
      %run_scoped3A = tpu.sem_alloc : memref<!tpu.dma_semaphore, #tpu.memory_space<semaphore_mem>>
      %dma_start3A_53 = arith.constant 0 : i32
      %dma_start3A_54 = tpu.memref_slice %arg5[%arg0, %mul3A_52, %dma_start3A_53] : memref<2x10240x128xf32, #tpu.memory_space<hbm>> -> memref<1x640x128xf32, #tpu.memory_space<hbm>>
      %dma_start3A_55 = tpu.memref_squeeze %dma_start3A_54 : memref<1x640x128xf32, #tpu.memory_space<hbm>> -> memref<640x128xf32, #tpu.memory_space<hbm>>
      %dma_start3A_56 = arith.constant 0 : i32
      %dma_start3A_57 = tpu.memref_slice %arg10[%mul3A_50, %dma_start3A_56] : memref<10240x128xf32, #tpu.memory_space<vmem_shared>> -> memref<640x128xf32, #tpu.memory_space<vmem_shared>>
      tpu.enqueue_dma source(%dma_start3A_57 : memref<640x128xf32, #tpu.memory_space<vmem_shared>>) target(%dma_start3A_55 : memref<640x128xf32, #tpu.memory_space<hbm>>) target_semaphore(%run_scoped3A : memref<!tpu.dma_semaphore, #tpu.memory_space<semaphore_mem>>)
      %dma_wait3A = arith.constant 0 : i32
      %dma_wait3A_58 = tpu.memref_slice %arg5[%arg0, %mul3A_52, %dma_wait3A] : memref<2x10240x128xf32, #tpu.memory_space<hbm>> -> memref<1x640x128xf32, #tpu.memory_space<hbm>>
      %dma_wait3A_59 = tpu.memref_squeeze %dma_wait3A_58 : memref<1x640x128xf32, #tpu.memory_space<hbm>> -> memref<640x128xf32, #tpu.memory_space<hbm>>
      %dma_wait3A_60 = arith.constant 0 : i32
      %dma_wait3A_61 = tpu.memref_slice %arg10[%mul3A_50, %dma_wait3A_60] : memref<10240x128xf32, #tpu.memory_space<vmem_shared>> -> memref<640x128xf32, #tpu.memory_space<vmem_shared>>
      tpu.wait_dma2 semaphore(%run_scoped3A : memref<!tpu.dma_semaphore, #tpu.memory_space<semaphore_mem>>) src(%dma_wait3A_61 : memref<640x128xf32, #tpu.memory_space<vmem_shared>>) dst(%dma_wait3A_59 : memref<640x128xf32, #tpu.memory_space<hbm>>)
      tpu.yield
    }) : () -> ()
    return
  }
}

module attributes {stable_mosaic.version = 14 : i64} {
  func.func @_prep_body(%arg0: i32, %arg1: memref<1000x128xf32, #tpu.memory_space<vmem>>, %arg2: memref<2x1000x128xf32, #tpu.memory_space<vmem>>, %arg3: memref<1000x128xf32, #tpu.memory_space<vmem>>) attributes {dimension_semantics = [#tpu.dimension_semantics<arbitrary>], iteration_bounds = array<i64: 10>, scalar_prefetch = 0 : i64, scratch_operands = 0 : i64, tpu.core_type = #tpu.core_type<tc>, window_params = [{transform_indices = @transform_0, window_bounds = array<i64: 1000, 128>}, {transform_indices = @transform_1, window_bounds = array<i64: 2, 1000, 128>}, {transform_indices = @transform_2, window_bounds = array<i64: 1000, 128>}]} {
    %get3A = arith.constant 0 : index
    %get3A_0 = arith.constant 0 : index
    %get3A_1 = arith.constant 0 : index
    %get3A_2 = vector.load %arg2[%get3A, %get3A_0, %get3A_1] : memref<2x1000x128xf32, #tpu.memory_space<vmem>>, vector<1x1000x1xf32>
    %get3A_3 = vector.shape_cast %get3A_2 : vector<1x1000x1xf32> to vector<1000x1xf32>
    %add3A = arith.constant 1.000000e+00 : f32
    %add3A_4 = vector.broadcast %add3A : f32 to vector<1000x1xf32>
    %add3A_5 = arith.addf %add3A_4, %get3A_3 : vector<1000x1xf32>
    %get3A_6 = arith.constant 1 : index
    %get3A_7 = arith.constant 0 : index
    %get3A_8 = arith.constant 0 : index
    %get3A_9 = vector.load %arg2[%get3A_6, %get3A_7, %get3A_8] : memref<2x1000x128xf32, #tpu.memory_space<vmem>>, vector<1x1000x1xf32>
    %get3A_10 = vector.shape_cast %get3A_9 : vector<1x1000x1xf32> to vector<1000x1xf32>
    %add3A_11 = arith.addf %add3A_5, %get3A_10 : vector<1000x1xf32>
    %get3A_12 = arith.constant 0 : index
    %get3A_13 = arith.constant 0 : index
    %get3A_14 = vector.load %arg1[%get3A_12, %get3A_13] : memref<1000x128xf32, #tpu.memory_space<vmem>>, vector<1000x128xf32>
    %rsqrt3A = math.rsqrt %add3A_11 : vector<1000x1xf32>
    %mul3A = vector.broadcast %rsqrt3A : vector<1000x1xf32> to vector<1000x128xf32>
    %mul3A_15 = arith.mulf %get3A_14, %mul3A : vector<1000x128xf32>
    %swap3A = arith.constant 0 : index
    %swap3A_16 = arith.constant 0 : index
    %swap3A_17 = vector.load %arg3[%swap3A, %swap3A_16] : memref<1000x128xf32, #tpu.memory_space<vmem>>, vector<1000x128xf32>
    tpu.vector_store %arg3[%swap3A, %swap3A_16], %mul3A_15 {strides = array<i32>} : memref<1000x128xf32, #tpu.memory_space<vmem>>, vector<1000x128xf32>,
    return
  }
  func.func @transform_0(%arg0: i32) -> (i32, i32) {
    %c0_i32 = arith.constant 0 : i32
    %c0_i32_0 = arith.constant 0 : i32
    return %arg0, %c0_i32 : i32, i32
  }
  func.func @transform_1(%arg0: i32) -> (i32, i32, i32) {
    %c0_i32 = arith.constant 0 : i32
    %c0_i32_0 = arith.constant 0 : i32
    %c0_i32_1 = arith.constant 0 : i32
    return %c0_i32, %arg0, %c0_i32_0 : i32, i32, i32
  }
  func.func @transform_2(%arg0: i32) -> (i32, i32) {
    %c0_i32 = arith.constant 0 : i32
    %c0_i32_0 = arith.constant 0 : i32
    return %arg0, %c0_i32 : i32, i32
  }
}

module attributes {stable_mosaic.version = 14 : i64} {
  func.func @_final_body(%arg0: i32, %arg1: memref<2x1000x128xf32, #tpu.memory_space<vmem>>, %arg2: memref<1000x128xf32, #tpu.memory_space<vmem>>, %arg3: memref<2x1000x128xf32, #tpu.memory_space<vmem>>, %arg4: memref<128x128xf32, #tpu.memory_space<vmem>>, %arg5: memref<1x128xf32, #tpu.memory_space<vmem>>, %arg6: memref<128x128xf32, #tpu.memory_space<vmem>>, %arg7: memref<1x128xf32, #tpu.memory_space<vmem>>, %arg8: memref<128x128xf32, #tpu.memory_space<vmem>>, %arg9: memref<1x128xf32, #tpu.memory_space<vmem>>, %arg10: memref<128x128xf32, #tpu.memory_space<vmem>>, %arg11: memref<1x128xf32, #tpu.memory_space<vmem>>, %arg12: memref<128x12xf32, #tpu.memory_space<vmem>>, %arg13: memref<1x12xf32, #tpu.memory_space<vmem>>, %arg14: memref<1000x128xf32, #tpu.memory_space<vmem>>, %arg15: memref<1000x12xf32, #tpu.memory_space<vmem>>) attributes {dimension_semantics = [#tpu.dimension_semantics<arbitrary>], iteration_bounds = array<i64: 10>, scalar_prefetch = 0 : i64, scratch_operands = 0 : i64, tpu.core_type = #tpu.core_type<tc>, window_params = [{transform_indices = @transform_0, window_bounds = array<i64: 2, 1000, 128>}, {transform_indices = @transform_1, window_bounds = array<i64: 1000, 128>}, {transform_indices = @transform_2, window_bounds = array<i64: 2, 1000, 128>}, {pipeline_mode = #tpu.pipeline_mode<synchronous>, transform_indices = @transform_3, window_bounds = array<i64: 128, 128>}, {pipeline_mode = #tpu.pipeline_mode<synchronous>, transform_indices = @transform_4, window_bounds = array<i64: 1, 128>}, {pipeline_mode = #tpu.pipeline_mode<synchronous>, transform_indices = @transform_5, window_bounds = array<i64: 128, 128>}, {pipeline_mode = #tpu.pipeline_mode<synchronous>, transform_indices = @transform_6, window_bounds = array<i64: 1, 128>}, {pipeline_mode = #tpu.pipeline_mode<synchronous>, transform_indices = @transform_7, window_bounds = array<i64: 128, 128>}, {pipeline_mode = #tpu.pipeline_mode<synchronous>, transform_indices = @transform_8, window_bounds = array<i64: 1, 128>}, {pipeline_mode = #tpu.pipeline_mode<synchronous>, transform_indices = @transform_9, window_bounds = array<i64: 128, 128>}, {pipeline_mode = #tpu.pipeline_mode<synchronous>, transform_indices = @transform_10, window_bounds = array<i64: 1, 128>}, {pipeline_mode = #tpu.pipeline_mode<synchronous>, transform_indices = @transform_11, window_bounds = array<i64: 128, 12>}, {pipeline_mode = #tpu.pipeline_mode<synchronous>, transform_indices = @transform_12, window_bounds = array<i64: 1, 12>}, {transform_indices = @transform_13, window_bounds = array<i64: 1000, 128>}, {transform_indices = @transform_14, window_bounds = array<i64: 1000, 12>}]} {
    %get3A = arith.constant 0 : index
    %get3A_0 = arith.constant 0 : index
    %get3A_1 = arith.constant 0 : index
    %get3A_2 = vector.load %arg3[%get3A, %get3A_0, %get3A_1] : memref<2x1000x128xf32, #tpu.memory_space<vmem>>, vector<1x1000x1xf32>
    %get3A_3 = vector.shape_cast %get3A_2 : vector<1x1000x1xf32> to vector<1000x1xf32>
    %add3A = arith.constant 1.000000e+00 : f32
    %add3A_4 = vector.broadcast %add3A : f32 to vector<1000x1xf32>
    %add3A_5 = arith.addf %add3A_4, %get3A_3 : vector<1000x1xf32>
    %get3A_6 = arith.constant 1 : index
    %get3A_7 = arith.constant 0 : index
    %get3A_8 = arith.constant 0 : index
    %get3A_9 = vector.load %arg3[%get3A_6, %get3A_7, %get3A_8] : memref<2x1000x128xf32, #tpu.memory_space<vmem>>, vector<1x1000x1xf32>
    %get3A_10 = vector.shape_cast %get3A_9 : vector<1x1000x1xf32> to vector<1000x1xf32>
    %add3A_11 = arith.addf %add3A_5, %get3A_10 : vector<1000x1xf32>
    %rsqrt3A = math.rsqrt %add3A_11 : vector<1000x1xf32>
    %get3A_12 = arith.constant 0 : index
    %get3A_13 = arith.constant 0 : index
    %get3A_14 = arith.constant 0 : index
    %get3A_15 = vector.load %arg1[%get3A_12, %get3A_13, %get3A_14] : memref<2x1000x128xf32, #tpu.memory_space<vmem>>, vector<1x1000x128xf32>
    %get3A_16 = vector.shape_cast %get3A_15 : vector<1x1000x128xf32> to vector<1000x128xf32>
    %get3A_17 = arith.constant 1 : index
    %get3A_18 = arith.constant 0 : index
    %get3A_19 = arith.constant 0 : index
    %get3A_20 = vector.load %arg1[%get3A_17, %get3A_18, %get3A_19] : memref<2x1000x128xf32, #tpu.memory_space<vmem>>, vector<1x1000x128xf32>
    %get3A_21 = vector.shape_cast %get3A_20 : vector<1x1000x128xf32> to vector<1000x128xf32>
    %add3A_22 = arith.addf %get3A_16, %get3A_21 : vector<1000x128xf32>
    %get3A_23 = arith.constant 0 : index
    %get3A_24 = arith.constant 0 : index
    %get3A_25 = vector.load %arg2[%get3A_23, %get3A_24] : memref<1000x128xf32, #tpu.memory_space<vmem>>, vector<1000x128xf32>
    %add3A_26 = arith.addf %add3A_22, %get3A_25 : vector<1000x128xf32>
    %mul3A = vector.broadcast %rsqrt3A : vector<1000x1xf32> to vector<1000x128xf32>
    %mul3A_27 = arith.mulf %mul3A, %add3A_26 : vector<1000x128xf32>
    %get3A_28 = arith.constant 0 : index
    %get3A_29 = arith.constant 0 : index
    %get3A_30 = vector.load %arg4[%get3A_28, %get3A_29] : memref<128x128xf32, #tpu.memory_space<vmem>>, vector<128x128xf32>
    %dot_general3A = arith.constant dense<0.000000e+00> : vector<1000x128xf32>
    %dot_general3A_31 = tpu.matmul %mul3A_27, %get3A_30, %dot_general3A {dimension_numbers = #tpu.dot_dimension_numbers<[1], [0], [0], [1], [0, 0, 1, 1], [], []>, precision = #tpu.contract_precision<fp32>, transpose_lhs_hint = false} : vector<1000x128xf32>, vector<128x128xf32>, vector<1000x128xf32> -> vector<1000x128xf32>
    %get3A_32 = arith.constant 0 : index
    %get3A_33 = arith.constant 0 : index
    %get3A_34 = vector.load %arg5[%get3A_32, %get3A_33] : memref<1x128xf32, #tpu.memory_space<vmem>>, vector<1x128xf32>
    %add3A_35 = vector.broadcast %get3A_34 : vector<1x128xf32> to vector<1000x128xf32>
    %add3A_36 = arith.addf %dot_general3A_31, %add3A_35 : vector<1000x128xf32>
    %get3A_37 = arith.constant 0 : index
    %get3A_38 = arith.constant 0 : index
    %get3A_39 = vector.load %arg8[%get3A_37, %get3A_38] : memref<128x128xf32, #tpu.memory_space<vmem>>, vector<128x128xf32>
    %dot_general3A_40 = arith.constant dense<0.000000e+00> : vector<1000x128xf32>
    %dot_general3A_41 = tpu.matmul %mul3A_27, %get3A_39, %dot_general3A_40 {dimension_numbers = #tpu.dot_dimension_numbers<[1], [0], [0], [1], [0, 0, 1, 1], [], []>, precision = #tpu.contract_precision<fp32>, transpose_lhs_hint = false} : vector<1000x128xf32>, vector<128x128xf32>, vector<1000x128xf32> -> vector<1000x128xf32>
    %get3A_42 = arith.constant 0 : index
    %get3A_43 = arith.constant 0 : index
    %get3A_44 = vector.load %arg9[%get3A_42, %get3A_43] : memref<1x128xf32, #tpu.memory_space<vmem>>, vector<1x128xf32>
    %add3A_45 = vector.broadcast %get3A_44 : vector<1x128xf32> to vector<1000x128xf32>
    %add3A_46 = arith.addf %dot_general3A_41, %add3A_45 : vector<1000x128xf32>
    %get3A_47 = arith.constant 0 : index
    %get3A_48 = arith.constant 0 : index
    %get3A_49 = vector.load %arg6[%get3A_47, %get3A_48] : memref<128x128xf32, #tpu.memory_space<vmem>>, vector<128x128xf32>
    %dot_general3A_50 = arith.constant dense<0.000000e+00> : vector<1000x128xf32>
    %dot_general3A_51 = tpu.matmul %add3A_36, %get3A_49, %dot_general3A_50 {dimension_numbers = #tpu.dot_dimension_numbers<[1], [0], [0], [1], [0, 0, 1, 1], [], []>, precision = #tpu.contract_precision<fp32>, transpose_lhs_hint = false} : vector<1000x128xf32>, vector<128x128xf32>, vector<1000x128xf32> -> vector<1000x128xf32>
    %get3A_52 = arith.constant 0 : index
    %get3A_53 = arith.constant 0 : index
    %get3A_54 = vector.load %arg7[%get3A_52, %get3A_53] : memref<1x128xf32, #tpu.memory_space<vmem>>, vector<1x128xf32>
    %add3A_55 = vector.broadcast %get3A_54 : vector<1x128xf32> to vector<1000x128xf32>
    %add3A_56 = arith.addf %dot_general3A_51, %add3A_55 : vector<1000x128xf32>
    %logistic3A = arith.negf %add3A_56 : vector<1000x128xf32>
    %logistic3A_57 = math.exp %logistic3A : vector<1000x128xf32>
    %logistic3A_58 = arith.constant 1.000000e+00 : f32
    %logistic3A_59 = vector.broadcast %logistic3A_58 : f32 to vector<1000x128xf32>
    %logistic3A_60 = arith.addf %logistic3A_59, %logistic3A_57 : vector<1000x128xf32>
    %logistic3A_61 = arith.divf %logistic3A_59, %logistic3A_60 : vector<1000x128xf32>
    %get3A_62 = arith.constant 0 : index
    %get3A_63 = arith.constant 0 : index
    %get3A_64 = vector.load %arg10[%get3A_62, %get3A_63] : memref<128x128xf32, #tpu.memory_space<vmem>>, vector<128x128xf32>
    %dot_general3A_65 = arith.constant dense<0.000000e+00> : vector<1000x128xf32>
    %dot_general3A_66 = tpu.matmul %add3A_46, %get3A_64, %dot_general3A_65 {dimension_numbers = #tpu.dot_dimension_numbers<[1], [0], [0], [1], [0, 0, 1, 1], [], []>, precision = #tpu.contract_precision<fp32>, transpose_lhs_hint = false} : vector<1000x128xf32>, vector<128x128xf32>, vector<1000x128xf32> -> vector<1000x128xf32>
    %get3A_67 = arith.constant 0 : index
    %get3A_68 = arith.constant 0 : index
    %get3A_69 = vector.load %arg11[%get3A_67, %get3A_68] : memref<1x128xf32, #tpu.memory_space<vmem>>, vector<1x128xf32>
    %add3A_70 = vector.broadcast %get3A_69 : vector<1x128xf32> to vector<1000x128xf32>
    %add3A_71 = arith.addf %dot_general3A_66, %add3A_70 : vector<1000x128xf32>
    %tanh3A = math.tanh %add3A_71 : vector<1000x128xf32>
    %sub3A = arith.constant 1.000000e+00 : f32
    %sub3A_72 = vector.broadcast %sub3A : f32 to vector<1000x128xf32>
    %sub3A_73 = arith.subf %sub3A_72, %logistic3A_61 : vector<1000x128xf32>
    %mul3A_74 = arith.mulf %sub3A_73, %tanh3A : vector<1000x128xf32>
    %max3A = arith.constant 0.000000e+00 : f32
    %max3A_75 = vector.broadcast %max3A : f32 to vector<1000x128xf32>
    %max3A_76 = arith.maximumf %mul3A_74, %max3A_75 : vector<1000x128xf32>
    %swap3A = arith.constant 0 : index
    %swap3A_77 = arith.constant 0 : index
    %swap3A_78 = vector.load %arg14[%swap3A, %swap3A_77] : memref<1000x128xf32, #tpu.memory_space<vmem>>, vector<1000x128xf32>
    tpu.vector_store %arg14[%swap3A, %swap3A_77], %max3A_76 {strides = array<i32>} : memref<1000x128xf32, #tpu.memory_space<vmem>>, vector<1000x128xf32>,
    %get3A_79 = arith.constant 0 : index
    %get3A_80 = arith.constant 0 : index
    %get3A_81 = vector.load %arg12[%get3A_79, %get3A_80] : memref<128x12xf32, #tpu.memory_space<vmem>>, vector<128x12xf32>
    %dot_general3A_82 = arith.constant dense<0.000000e+00> : vector<1000x12xf32>
    %dot_general3A_83 = tpu.matmul %max3A_76, %get3A_81, %dot_general3A_82 {dimension_numbers = #tpu.dot_dimension_numbers<[1], [0], [0], [1], [0, 0, 1, 1], [], []>, precision = #tpu.contract_precision<fp32>, transpose_lhs_hint = false} : vector<1000x128xf32>, vector<128x12xf32>, vector<1000x12xf32> -> vector<1000x12xf32>
    %get3A_84 = arith.constant 0 : index
    %get3A_85 = arith.constant 0 : index
    %get3A_86 = vector.load %arg13[%get3A_84, %get3A_85] : memref<1x12xf32, #tpu.memory_space<vmem>>, vector<1x12xf32>
    %add3A_87 = vector.broadcast %get3A_86 : vector<1x12xf32> to vector<1000x12xf32>
    %add3A_88 = arith.addf %dot_general3A_83, %add3A_87 : vector<1000x12xf32>
    %swap3A_89 = arith.constant 0 : index
    %swap3A_90 = arith.constant 0 : index
    %swap3A_91 = vector.load %arg15[%swap3A_89, %swap3A_90] : memref<1000x12xf32, #tpu.memory_space<vmem>>, vector<1000x12xf32>
    tpu.vector_store %arg15[%swap3A_89, %swap3A_90], %add3A_88 {strides = array<i32>} : memref<1000x12xf32, #tpu.memory_space<vmem>>, vector<1000x12xf32>,
    return
  }
  func.func @transform_0(%arg0: i32) -> (i32, i32, i32) {
    %c0_i32 = arith.constant 0 : i32
    %c0_i32_0 = arith.constant 0 : i32
    %c0_i32_1 = arith.constant 0 : i32
    return %c0_i32, %arg0, %c0_i32_0 : i32, i32, i32
  }
  func.func @transform_1(%arg0: i32) -> (i32, i32) {
    %c0_i32 = arith.constant 0 : i32
    %c0_i32_0 = arith.constant 0 : i32
    return %arg0, %c0_i32 : i32, i32
  }
  func.func @transform_2(%arg0: i32) -> (i32, i32, i32) {
    %c0_i32 = arith.constant 0 : i32
    %c0_i32_0 = arith.constant 0 : i32
    %c0_i32_1 = arith.constant 0 : i32
    return %c0_i32, %arg0, %c0_i32_0 : i32, i32, i32
  }
  func.func @transform_3(%arg0: i32) -> (i32, i32) {
    %c0_i32 = arith.constant 0 : i32
    %c0_i32_0 = arith.constant 0 : i32
    %c0_i32_1 = arith.constant 0 : i32
    return %c0_i32, %c0_i32_0 : i32, i32
  }
  func.func @transform_4(%arg0: i32) -> (i32, i32) {
    %c0_i32 = arith.constant 0 : i32
    %c0_i32_0 = arith.constant 0 : i32
    %c0_i32_1 = arith.constant 0 : i32
    return %c0_i32, %c0_i32_0 : i32, i32
  }
  func.func @transform_5(%arg0: i32) -> (i32, i32) {
    %c0_i32 = arith.constant 0 : i32
    %c0_i32_0 = arith.constant 0 : i32
    %c0_i32_1 = arith.constant 0 : i32
    return %c0_i32, %c0_i32_0 : i32, i32
  }
  func.func @transform_6(%arg0: i32) -> (i32, i32) {
    %c0_i32 = arith.constant 0 : i32
    %c0_i32_0 = arith.constant 0 : i32
    %c0_i32_1 = arith.constant 0 : i32
    return %c0_i32, %c0_i32_0 : i32, i32
  }
  func.func @transform_7(%arg0: i32) -> (i32, i32) {
    %c0_i32 = arith.constant 0 : i32
    %c0_i32_0 = arith.constant 0 : i32
    %c0_i32_1 = arith.constant 0 : i32
    return %c0_i32, %c0_i32_0 : i32, i32
  }
  func.func @transform_8(%arg0: i32) -> (i32, i32) {
    %c0_i32 = arith.constant 0 : i32
    %c0_i32_0 = arith.constant 0 : i32
    %c0_i32_1 = arith.constant 0 : i32
    return %c0_i32, %c0_i32_0 : i32, i32
  }
  func.func @transform_9(%arg0: i32) -> (i32, i32) {
    %c0_i32 = arith.constant 0 : i32
    %c0_i32_0 = arith.constant 0 : i32
    %c0_i32_1 = arith.constant 0 : i32
    return %c0_i32, %c0_i32_0 : i32, i32
  }
  func.func @transform_10(%arg0: i32) -> (i32, i32) {
    %c0_i32 = arith.constant 0 : i32
    %c0_i32_0 = arith.constant 0 : i32
    %c0_i32_1 = arith.constant 0 : i32
    return %c0_i32, %c0_i32_0 : i32, i32
  }
  func.func @transform_11(%arg0: i32) -> (i32, i32) {
    %c0_i32 = arith.constant 0 : i32
    %c0_i32_0 = arith.constant 0 : i32
    %c0_i32_1 = arith.constant 0 : i32
    return %c0_i32, %c0_i32_0 : i32, i32
  }
  func.func @transform_12(%arg0: i32) -> (i32, i32) {
    %c0_i32 = arith.constant 0 : i32
    %c0_i32_0 = arith.constant 0 : i32
    %c0_i32_1 = arith.constant 0 : i32
    return %c0_i32, %c0_i32_0 : i32, i32
  }
  func.func @transform_13(%arg0: i32) -> (i32, i32) {
    %c0_i32 = arith.constant 0 : i32
    %c0_i32_0 = arith.constant 0 : i32
    return %arg0, %c0_i32 : i32, i32
  }
  func.func @transform_14(%arg0: i32) -> (i32, i32) {
    %c0_i32 = arith.constant 0 : i32
    %c0_i32_0 = arith.constant 0 : i32
    return %arg0, %c0_i32 : i32, i32
  }
}

</mosaic_0001>

<sc_bundles>
// kernel: kernel.6.cloned.1.call-start
scs
__scs_entry_jumppad:
0x0: {  	(pc) =	sbr.rel $0x88, $3  }
0x1: {  	(tag) =	ssettag $0x0;
	lr =	simm.s32 $0x1  }
0x2: {  	[smem:$0x3F95] =	sst lr;
	_ =	strace $0xD0000000  }
0x3: {  	_ = 	snop  }
0x4: {  	_ = 	snop  }
0x5: {  	_ = 	snop  }
0x6: {  	_ = 	snop  }
0x7: {  	_ = 	snop  }
__scs_overlays_trampoline_lowered:
0x8: {  	[smem:$0x3FA4] =	sst s0  }
0x9: {  	[smem:$0x3FA5] =	sst s1  }
0xa: {  	[smem:$0x3FA6] =	sst s2  }
0xb: {  	[smem:$0x3FA7] =	sst s3  }
0xc: {  	[smem:$0x3FA8] =	sst s4  }
0xd: {  	[smem:$0x3FA9] =	sst s5  }
0xe: {  	[smem:$0x3FAA] =	sst s6  }
0xf: {  	[smem:$0x3FAB] =	sst s7  }
0x10: {  	[smem:$0x3FAC] =	sst s8  }
0x11: {  	[smem:$0x3FAD] =	sst s9;
	s0 =	simm.s32 @!p0 $0x0  }
0x12: {  	s1 =	sld [smem:$0x3F93];
	s0 =	simm.s32 @p0 $0x1  }
0x13: {  	[smem:$0x3FAE] =	sst s0;
	s0 =	simm.s32 @!p1 $0x0  }
0x14: {  	s2 =	sld [smem:$0x3F92];
	s0 =	simm.s32 @p1 $0x1  }
0x15: {  	[smem:$0x3FAF] =	sst s0;
	s0 =	simm.s32 @!p2 $0x0  }
0x16: {  	s3 =	sld [smem:$0x3FDB];
	s0 =	simm.s32 @p2 $0x1  }
0x17: {  	s4 =	simm.s32 $0x1BF5;
	[smem:$0x3FB1] =	sst s0  }
0x18: {  	s0 =	sld [smem:$0x3F94];
	_ =	swait.ge [sflag:s4], $0x0  }
0x19: {  	s7 =	sld [smem:$0x3F95]  }
0x1a: {  	s8 =	sadd.s32 $0xFFFFE003, lr  }
0x1b: {  	s9 =	sadd.s32 $0xFFFFFEF7, lr;
	s5 =	simm.s32 $0xFFFFFFFF;
	p2 =	slt.u32 s8, $0xFFFFF086  }
0x1c: {  	p1 =	slt.u32 s9, $0xF7A;
	s5 =	simm.s32 @!p2 $0x0  }
0x1d: {  	s5 =	simm.s32 @p1 $0x1;
	p0 =	seq.s32 s7, s2  }
0x1e: {  	s7 =	smul.u32 @!p0 $0xF7A, s2;
	p2 =	seq.s32 @!p0 s5, $0x0  }
0x1f: {  	s9 =	smul.u32 $0xF7A, s1;
	s8 =	simm.s32 @!p0 $0x1BF5;
	p2 =	por !p2, p0  }
0x20: {  	[sflag:s8] =	ssyncset.s32 @!p0 $0xFFFFF086;
	s6 =	sadd.s32 @!p0 s3, s7;
	s7 =	simm.s32 @!p0 $0x108  }
0x21: {  	s3 =	sadd.s32 s3, s9;
	s6 =	sadd.s32 @!p0 $0x88, s6;
	s7 =	simm.s32 @p2 $0x1082  }
0x22: {  	[simem:s7], [sflag:s8] =	dma.local @!p0 [hbm:s6], $0xF7A  }
0x23: {  	s9 =	sor.u32 $0xD0000000, s2;
	s6 =	simm.s32 $0x108;
	_ =	swait.ge @!p0 [sflag:s8], $0x0  }
0x24: {  	s3 =	sadd.s32 $0x88, s3;
	s6 =	simm.s32 @!p1 $0x1082;
	[sflag:s4] =	ssyncset.s32 $0xFFFFF086  }
0x25: {  	[simem:s6], [sflag:s4] =	dma.local [hbm:s3], $0xF7A  }
0x26: {  	[smem:$0x3F95] =	sst s1;
	(tag) =	ssettag s2;
	_ =	strace s9  }
0x27: {  	s1 =	sld [smem:$0x3FA5]  }
0x28: {  	s2 =	sld [smem:$0x3FA6]  }
0x29: {  	s4 =	sld [smem:$0x3FA8]  }
0x2a: {  	p0 =	seq.s32 s5, $0x0;
	s5 =	sld [smem:$0x3FA9]  }
0x2b: {  	s6 =	sld [smem:$0x3FAA]  }
0x2c: {  	s7 =	sld [smem:$0x3FAB]  }
0x2d: {  	s3 =	simm.s32 $0x108;
	s8 =	sld [smem:$0x3FAC]  }
0x2e: {  	s3 =	simm.s32 @!p0 $0x1082;
	s9 =	sld [smem:$0x3FAD]  }
0x2f: {  	lr =	sadd.s32 s0, s3;
	s0 =	sld [smem:$0x3FA4]  }
0x30: {  	s3 =	sld [smem:$0x3FA7]  }
0x31: {  	[smem:$0x3FB0] =	sst s10  }
0x32: {  	s10 =	sld [smem:$0x3FAE];
	_ =	sdelay $0x3  }
0x33: {  	p0 =	seq.s32 s10, $0x1;
	s10 =	sld [smem:$0x3FB0];
	_ =	sdelay $0x3  }
0x34: {  	[smem:$0x3FB0] =	sst s10  }
0x35: {  	s10 =	sld [smem:$0x3FAF];
	_ =	sdelay $0x3  }
0x36: {  	p1 =	seq.s32 s10, $0x1;
	s10 =	sld [smem:$0x3FB0];
	_ =	sdelay $0x3  }
0x37: {  	[smem:$0x3FB0] =	sst s10  }
0x38: {  	s10 =	sld [smem:$0x3FB1]  }
0x39: {  	_ = 	snop;
	(pc) =	sbr.ind lr, $3  }
0x3a: {  	_ = 	snop  }
0x3b: {  	_ = 	snop  }
0x3c: {  	p2 =	seq.s32 s10, $0x1;
	s10 =	sld [smem:$0x3FB0]  }
0x3d: {  	_ =	shalt  }
0x3e: {  	_ =	shalt  }
0x3f: {  	_ =	shalt  }
0x40: {  	_ =	shalt  }
0x41: {  	_ =	shalt  }
0x42: {  	_ =	shalt  }
0x43: {  	_ =	shalt  }
0x44: {  	_ =	shalt  }
0x45: {  	_ =	shalt  }
0x46: {  	_ =	shalt  }
0x47: {  	_ =	shalt  }
0x48: {  	_ =	shalt  }
0x49: {  	_ =	shalt  }
0x4a: {  	_ =	shalt  }
0x4b: {  	_ =	shalt  }
0x4c: {  	_ =	shalt  }
0x4d: {  	_ =	shalt  }
0x4e: {  	_ =	shalt  }
0x4f: {  	_ =	shalt  }
0x50: {  	_ =	shalt  }
0x51: {  	_ =	shalt  }
0x52: {  	_ =	shalt  }
0x53: {  	_ =	shalt  }
0x54: {  	_ =	shalt  }
0x55: {  	_ =	shalt  }
0x56: {  	_ =	shalt  }
0x57: {  	_ =	shalt  }
0x58: {  	_ =	shalt  }
0x59: {  	_ =	shalt  }
0x5a: {  	_ =	shalt  }
0x5b: {  	_ =	shalt  }
0x5c: {  	_ =	shalt  }
0x5d: {  	_ =	shalt  }
0x5e: {  	_ =	shalt  }
0x5f: {  	_ =	shalt  }
0x60: {  	_ =	shalt  }
0x61: {  	_ =	shalt  }
0x62: {  	_ =	shalt  }
0x63: {  	_ =	shalt  }
0x64: {  	_ =	shalt  }
0x65: {  	_ =	shalt  }
0x66: {  	_ =	shalt  }
0x67: {  	_ =	shalt  }
0x68: {  	_ =	shalt  }
0x69: {  	_ =	shalt  }
0x6a: {  	_ =	shalt  }
0x6b: {  	_ =	shalt  }
0x6c: {  	_ =	shalt  }
0x6d: {  	_ =	shalt  }
0x6e: {  	_ =	shalt  }
0x6f: {  	_ =	shalt  }
0x70: {  	_ =	shalt  }
0x71: {  	_ =	shalt  }
0x72: {  	_ =	shalt  }
0x73: {  	_ =	shalt  }
0x74: {  	_ =	shalt  }
0x75: {  	_ =	shalt  }
0x76: {  	_ =	shalt  }
0x77: {  	_ =	shalt  }
0x78: {  	_ =	shalt  }
0x79: {  	_ =	shalt  }
0x7a: {  	_ =	shalt  }
0x7b: {  	_ =	shalt  }
0x7c: {  	_ =	shalt  }
0x7d: {  	_ =	shalt  }
0x7e: {  	_ =	shalt  }
0x7f: {  	_ =	shalt  }
0x80: {  	_ =	shalt  }
0x81: {  	_ =	shalt  }
0x82: {  	_ =	shalt  }
0x83: {  	_ =	shalt  }
0x84: {  	_ =	shalt  }
0x85: {  	_ =	shalt  }
0x86: {  	_ =	shalt  }
0x87: {  	_ =	shalt  }
.Lfunc_end0:
.L_simem_size_0:
called_computation_lowered:
.L_overlay_start_0:
0x88: {  	s2 =	sld [smem:$0x3FD9]  }
0x89: {  	s3 =	sld [smem:$0x3FFE];
	_ =	sdelay $0x1  }
0x8a: {  	s1 =	srdreg.scid  }
0x8b: {  	s0 =	sand.u32 $0x1, s1  }
0x8c: {  	s16 =	sshll.u32 s0, $0xA;
	s2 =	sadd.s32 s3, s2  }
0x8d: {  	s2 =	sadd.s32 s2, s16  }
0x8e: {  	[smem:$0x3FBC] =	sst s2  }
0x8f: {  	_ = 	snop  }
0x90: {  	(tm) =	ssettm $0x1  }
0x91: {  	s17 =	sld [smem:$0x3FFB];
	_ =	sdelay $0x3  }
0x92: {  	_ =	strace s17  }
0x93: {  	s2 =	sld [smem:$0x3FFC];
	_ =	sdelay $0x3  }
0x94: {  	_ =	strace s2  }
0x95: {  	s2 =	sld [smem:$0x3FFD];
	_ =	sdelay $0x3  }
0x96: {  	_ =	strace s2  }
0x97: {  	_ =	strace $0x8FFFFFFF  }
0x98: {  	s18 =	sld [smem:$0x3FDB];
	_ =	sdelay $0x1  }
0x99: {  	s19 =	simm.s32 $_scs_section_size  }
0x9a: {  	s4 =	simm.s32 $_size__tile_overlayer_lowered;
	s5 =	simm.s32 $_tile_overlayer_lowered  }
0x9b: {  	s22 =	simm.s32 $0x1BFF;
	s21 =	sshll.u32 s5, $0x1;
	s2 =	sadd.s32 s19, s18  }
0x9c: {  	s6 =	simm.s32 $0x0;
	s20 =	sshll.u32 s4, $0x1;
	s4 =	sadd.s32 s21, s2  }
0x9d: {  	[timem:s6], [sflag:s22] =	dma.local [hbm:s4], s20  }
0x9e: {  	_ =	swait.ge [sflag:s22], s20  }
0x9f: {  	s3 =	ssub.s32 $0x0, s20;
	[sflag:s22] =	ssyncset.done $0x0  }
0xa0: {  	[sflag:s22] =	ssyncadd.s32 s3;
	_ =	sdelay $0x1  }
0xa1: {  	s23 =	simm.s32 $0x1B8B  }
0xa2: {  	_ =	swait.ge [sflag:s23], $0x1  }
0xa3: {  	[sflag:s23] =	ssyncset.done $0x0  }
0xa4: {  	s25 =	simm.s32 $0x1B8E;
	s24 =	sld [smem:$0x3FFE];
	[sflag:s23] =	ssyncadd.s32 $0xFFFFFFFF  }
0xa5: {  	s26 =	simm.s32 $execute0_lowered;
	[smem:$0x3FD2] =	sst s25  }
0xa6: {  	s4 =	sshll.u32 s26, $0x1;
	_ =	strace $0x80000046;
	[dreg:$0x1] =	wrdreg $0xFFFFFFFF  }
0xa7: {  	s28 =	simm.s32 $_size_execute0_lowered;
	s2 =	sadd.s32 s2, s4;
	[dreg:$0x0] =	wrdreg $0x0  }
0xa8: {  	s4 =	sshll.u32 s28, $0x1;
	[dreg:$0x2] =	wrdreg s2  }
0xa9: {  	[dreg:$0x3] =	wrdreg s4  }
0xaa: {  	[dreg:$0x4] =	wrdreg $0xC0  }
0xab: {  	_ =	task [dreg:s6], $0x5FFFF  }
0xac: {  	[dreg:$0x1] =	wrdreg $0xFFFFFFFF  }
0xad: {  	[dreg:$0x0] =	wrdreg $0x60  }
0xae: {  	[dreg:$0x2] =	wrdreg s24  }
0xaf: {  	[dreg:$0x3] =	wrdreg $0x54000  }
0xb0: {  	[dreg:$0x4] =	wrdreg $0x9  }
0xb1: {  	_ =	task.clear_ibuf [dreg:s6], $0x5FFFF;
	_ =	strace $0x90000046  }
0xb2: {  	s29 =	simm.s32 $0x9;
	_ =	strace $0x80000048  }
0xb3: {  	_ =	swait.ge [sflag:s29], $0x1  }
0xb4: {  	[sflag:s29] =	ssyncadd.s32 $0xFFFFFFFF  }
0xb5: {  	_ =	strace $0x90000048  }
0xb6: {  	_ =	sfence  }
0xb7: {  	s30 =	sld [smem:$0x0];
	_ =	sdelay $0x2  }
0xb8: {  	s31 =	sshll.u32 s1, $0xD;
	s1 =	sshrl.u32 s1, $0x2  }
0xb9: {  	s3 =	sand.u32 $0x4000, s31;
	s1 =	sadd.s32 s1, s30  }
0xba: {  	s0 =	sor.u32 s3, s0;
	s1 =	sshll.u32 s1, $0x11  }
0xbb: {  	s0 =	sor.u32 s1, s0  }
0xbc: {  	s0 =	sadd.s32 $0x8F2B, s0  }
0xbd: {  	[sflag:s0] =	ssyncadd.remote.s32 $0x1  }
0xbe: {  	_ =	sfence.sel $0xFFFF  }
0xbf: {  	[dreg:$0x0] =	wrdreg $0xFFFFFFFF;
	(pc) =	sbr.abs _section_cstart, $3  }
0xc0: {  	[dreg:$0x1] =	wrdreg $0xFFFFFFFF  }
0xc1: {  	_ =	task.clear_ibuf [dreg:s6], $0x2FFFF;
	_ =	strace $0x9FFFFFFF  }
0xc2: {  	(tm) =	ssettm $0x7FFFFFFF  }
0xc3: {  	_ =	shalt  }
tec
execute0_lowered:
.L_overlay_start_1:
0x0: {  	(tag) =	ssettag $0x1  }
0x1: {  	s0 =	srdreg.scid;
	s5 =	rddreg [dreg:$0x0]  }
0x2: {  	s7 =	stileid.u32;
	s2 =	rddreg [dreg:$0x1];
	s3 =	simm.s32 $0x0  }
0x3: {  	s13 =	simm.s32 $0x2;
	s15 =	simm.s32 $0x80;
	s19 =	simm.s32 $0x1  }
0x4: {  	s16 =	simm.s32 $0x4200;
	s9 =	simm.s32 $0x4280;
	s17 =	simm.s32 $0x4300  }
0x5: {  	s10 =	simm.s32 $0x4380;
	s18 =	simm.s32 $0x4400;
	s11 =	simm.s32 $0x4480  }
0x6: {  	s12 =	simm.s32 $0x4500;
	s28 =	simm.s32 $0x4900;
	s29 =	simm.s32 $0x4980  }
0x7: {  	s30 =	simm.s32 $0x4A00;
	s31 =	simm.s32 $0x4A80;
	s14 =	simm.s32 $0x4B80  }
0x8: {  	s0 =	sand.u32 $0x1, s0;
	s6 =	smul.u32 $0x14000, s7;
	[smem:$0x7FF] =	sst s3  }
0x9: {  	s1 =	sshll.u32 s0, $0x4;
	s4 =	smul.u32 $0x140000, s0;
	_ =	strace $0x80000047  }
0xa: {  	s0 =	ssub.s32 $0x2, s0;
	s1 =	sor.u32 s7, s1;
	s7 =	smul.u32 $0x50000, s7  }
0xb: {  	s8 =	sshrl.u32 s0, $0x1;
	s1 =	smul.u32 $0x2800, s1;
	s4 =	sadd.s32 s6, s4  }
0xc: {  	s0 =	ssub.s32 s0, s8;
	s8 =	simm.s32 $0x4180;
	s20 =	sshrl.u32 s7, $0x2  }
0xd: {  	s21 =	sshrl.u32 s4, $0x3;
	s0 =	smax.u32 s0, $0x1;
	s1 =	sshrl.u32 s1, $0x3  }
0xe: {  	s4 =	sadd.s32 s20, s2;
	[dreg:$0xa] =	wrdreg s0;
	s0 =	simm.s32 $0x0  }
0xf: {  	s20 =	simm.s32 $0x4580;
	s6 =	sadd.s32 $0x4000, s4;
	[dreg:$0xb] =	wrdreg s4  }
0x10: {  	s1 =	sadd.s32 s1, s5;
	s22 =	sadd.s32 $0x8000, s4;
	[dreg:$0x3] =	wrdreg s6  }
0x11: {  	s5 =	sadd.s32 s21, s5;
	s23 =	sadd.s32 $0xC000, s4;
	[dreg:$0x4] =	wrdreg s22  }
0x12: {  	s24 =	sadd.s32 $0x10000, s4;
	s21 =	simm.s32 $0x4600;
	[dreg:$0x5] =	wrdreg s23  }
0x13: {  	[dreg:$0x6] =	wrdreg s24;
	s25 =	sadd.s32 $0x2800, s1;
	s1 =	sadd.s32 $0x2A80, s1  }
0x14: {  	s26 =	sadd.s32 $0x16800, s5;
	s22 =	simm.s32 $0x4680;
	[dreg:$0x7] =	wrdreg s25  }
0x15: {  	s23 =	simm.s32 $0x4700;
	s24 =	simm.s32 $0x4780;
	[dreg:$0x8] =	wrdreg s1  }
0x16: {  	v0 =	vimm.f32 $0.0e+00;
	v1 =	vimm.f32 $1.000000000e+00;
	[dreg:$0x9] =	wrdreg s26;
	s25 =	simm.s32 $0x4800;
	s26 =	simm.s32 $0x4880  }
.LBB2_1:
0x17: {  	s5 =	simm.s32 $0x0;
	s6 =	simm.s32 $0x200  }
.LBB2_2:
0x18: {  	p0 =	sne.s32 s6, $0xFE00;
	[tilespmem:s5+$0x70] =	vst v0  }
0x19: {  	[tilespmem:s5+$0x0] =	vst v0  }
0x1a: {  	[tilespmem:s5+$0x10] =	vst v0  }
.Ltmp0:
0x1b: {  	[tilespmem:s5+$0x20] =	vst v0;
	(pc) =	sbr.rel @p0 .LBB2_2-.Ltmp0, $4  }
0x1c: {  	[tilespmem:s5+$0x30] =	vst v0  }
0x1d: {  	[tilespmem:s5+$0x40] =	vst v0  }
0x1e: {  	[tilespmem:s5+$0x50] =	vst v0  }
0x1f: {  	[tilespmem:s5+$0x60] =	vst v0;
	s5 =	sshra.s32 s6, $0x2;
	s6 =	sadd.s32 $0x200, s6  }
0x20: {  	[tilespmem:s5+$0x70] =	vst v0  }
0x21: {  	[tilespmem:s5+$0x0] =	vst v0  }
0x22: {  	[tilespmem:s5+$0x10] =	vst v0  }
0x23: {  	[tilespmem:s5+$0x20] =	vst v0  }
0x24: {  	[tilespmem:s5+$0x30] =	vst v0  }
0x25: {  	[tilespmem:s5+$0x40] =	vst v0  }
0x26: {  	[tilespmem:s5+$0x50] =	vst v0  }
0x27: {  	[tilespmem:s5+$0x60] =	vst v0;
	s5 =	simm.s32 $0x0  }
0x28: {  	[spmem:s4] =	stream.linear.scatter [tilespmem:s5], [sflag:$0x2], $0x4000, $0x38;
	[tilespmem:$0x19400] =	vst v63  }
0x29: {  	_ =	swait.ge [sflag:s13], $0x4000  }
0x2a: {  	[sflag:s13] =	ssyncset.done $0x0  }
0x2b: {  	s6 =	rddreg [dreg:$0x3];
	[sflag:s13] =	ssyncadd.s32 $0xFFFFC000  }
0x2c: {  	[spmem:s6] =	stream.linear.scatter [tilespmem:s5], [sflag:$0x2], $0x4000, $0x38;
	[tilespmem:$0x19400] =	vst v63  }
0x2d: {  	_ =	swait.ge [sflag:s13], $0x4000  }
0x2e: {  	[sflag:s13] =	ssyncset.done $0x0  }
0x2f: {  	s1 =	rddreg [dreg:$0x4];
	[sflag:s13] =	ssyncadd.s32 $0xFFFFC000  }
0x30: {  	[spmem:s1] =	stream.linear.scatter [tilespmem:s5], [sflag:$0x2], $0x4000, $0x38;
	[tilespmem:$0x19400] =	vst v63  }
0x31: {  	_ =	swait.ge [sflag:s13], $0x4000  }
0x32: {  	[sflag:s13] =	ssyncset.done $0x0  }
0x33: {  	s4 =	rddreg [dreg:$0x5];
	[sflag:s13] =	ssyncadd.s32 $0xFFFFC000  }
0x34: {  	[spmem:s4] =	stream.linear.scatter [tilespmem:s5], [sflag:$0x2], $0x4000, $0x38;
	[tilespmem:$0x19400] =	vst v63  }
0x35: {  	_ =	swait.ge [sflag:s13], $0x4000  }
0x36: {  	[sflag:s13] =	ssyncset.done $0x0  }
0x37: {  	s7 =	rddreg [dreg:$0x6];
	[sflag:s13] =	ssyncadd.s32 $0xFFFFC000  }
0x38: {  	[spmem:s7] =	stream.linear.scatter [tilespmem:s5], [sflag:$0x2], $0x4000, $0x38;
	[tilespmem:$0x19400] =	vst v63  }
0x39: {  	_ =	swait.ge [sflag:s13], $0x4000  }
0x3a: {  	[sflag:s13] =	ssyncset.done $0x0  }
0x3b: {  	s6 =	simm.s32 $0x200;
	s5 =	simm.s32 $0x0;
	[sflag:s13] =	ssyncadd.s32 $0xFFFFC000  }
.LBB2_4:
0x3c: {  	p0 =	sne.s32 s6, $0xFE00;
	[tilespmem:s5+$0x70] =	vst v1  }
0x3d: {  	[tilespmem:s5+$0x0] =	vst v1  }
0x3e: {  	[tilespmem:s5+$0x10] =	vst v1  }
.Ltmp1:
0x3f: {  	[tilespmem:s5+$0x20] =	vst v1;
	(pc) =	sbr.rel @p0 .LBB2_4-.Ltmp1, $4  }
0x40: {  	[tilespmem:s5+$0x30] =	vst v1  }
0x41: {  	[tilespmem:s5+$0x40] =	vst v1  }
0x42: {  	[tilespmem:s5+$0x50] =	vst v1  }
0x43: {  	[tilespmem:s5+$0x60] =	vst v1;
	s5 =	sshra.s32 s6, $0x2;
	s6 =	sadd.s32 $0x200, s6  }
0x44: {  	[tilespmem:s5+$0x70] =	vst v1  }
0x45: {  	[tilespmem:s5+$0x0] =	vst v1  }
0x46: {  	[tilespmem:s5+$0x10] =	vst v1  }
0x47: {  	[tilespmem:s5+$0x20] =	vst v1  }
0x48: {  	[tilespmem:s5+$0x30] =	vst v1  }
0x49: {  	[tilespmem:s5+$0x40] =	vst v1  }
0x4a: {  	[tilespmem:s5+$0x50] =	vst v1  }
0x4b: {  	[tilespmem:s5+$0x60] =	vst v1  }
0x4c: {  	[bflag:$0x0] =	sbarrier.arrive $0xFFFF  }
0x4d: {  	s4 =	simm.s32 $0x4000;
	s1 =	rddreg [dreg:$0x7]  }
0x4e: {  	[tilespmem:s4], [sflag:$0x2] =	stream.linear.gather [hbm4b:s1+s3], $0x1400, $0x38;
	[tilespmem:$0x19400] =	vst v63  }
0x4f: {  	_ =	swait.ge [sflag:s13], $0x1400  }
0x50: {  	[sflag:s13] =	ssyncset.done $0x0  }
0x51: {  	[sflag:s13] =	ssyncadd.s32 $0xFFFFEC00  }
0x52: {  	[spmem:s2] =	stream.indirect.scatter.add.f32 [tilespmem:s3], [sflag:$0x1], $0x80, s4, s15, $0xb8;
	[tilespmem:$0x19400] =	vst v63  }
0x53: {  	s6 =	simm.s32 $0x4080  }
0x54: {  	[spmem:s2] =	stream.indirect.scatter.add.f32 [tilespmem:s3], [sflag:$0x1], $0x80, s6, s15, $0xb8;
	[tilespmem:$0x19400] =	vst v63  }
0x55: {  	s7 =	simm.s32 $0x4100  }
0x56: {  	[spmem:s2] =	stream.indirect.scatter.add.f32 [tilespmem:s3], [sflag:$0x1], $0x80, s7, s15, $0xb8;
	[tilespmem:$0x19400] =	vst v63  }
0x57: {  	_ = 	snop  }
0x58: {  	[spmem:s2] =	stream.indirect.scatter.add.f32 [tilespmem:s3], [sflag:$0x1], $0x80, s8, s15, $0xb8;
	[tilespmem:$0x19400] =	vst v63  }
0x59: {  	_ =	swait.ge [sflag:s19], $0x4000  }
0x5a: {  	[sflag:s19] =	ssyncset.done $0x0  }
0x5b: {  	[sflag:s19] =	ssyncadd.s32 $0xFFFFC000  }
0x5c: {  	_ =	swait.ge [sflag:s19], $0x4000  }
0x5d: {  	[sflag:s19] =	ssyncset.done $0x0  }
0x5e: {  	[sflag:s19] =	ssyncadd.s32 $0xFFFFC000  }
0x5f: {  	_ =	swait.ge [sflag:s19], $0x4000  }
0x60: {  	[sflag:s19] =	ssyncset.done $0x0  }
0x61: {  	[sflag:s19] =	ssyncadd.s32 $0xFFFFC000  }
0x62: {  	_ =	swait.ge [sflag:s19], $0x4000  }
0x63: {  	[sflag:s19] =	ssyncset.done $0x0  }
0x64: {  	[sflag:s19] =	ssyncadd.s32 $0xFFFFC000  }
0x65: {  	[spmem:s2] =	stream.indirect.scatter.add.f32 [tilespmem:s3], [sflag:$0x1], $0x80, s16, s15, $0xb8;
	[tilespmem:$0x19400] =	vst v63  }
0x66: {  	_ = 	snop  }
0x67: {  	[spmem:s2] =	stream.indirect.scatter.add.f32 [tilespmem:s3], [sflag:$0x1], $0x80, s9, s15, $0xb8;
	[tilespmem:$0x19400] =	vst v63  }
0x68: {  	_ = 	snop  }
0x69: {  	[spmem:s2] =	stream.indirect.scatter.add.f32 [tilespmem:s3], [sflag:$0x1], $0x80, s17, s15, $0xb8;
	[tilespmem:$0x19400] =	vst v63  }
0x6a: {  	_ = 	snop  }
0x6b: {  	[spmem:s2] =	stream.indirect.scatter.add.f32 [tilespmem:s3], [sflag:$0x1], $0x80, s10, s15, $0xb8;
	[tilespmem:$0x19400] =	vst v63  }
0x6c: {  	_ =	swait.ge [sflag:s19], $0x4000  }
0x6d: {  	[sflag:s19] =	ssyncset.done $0x0  }
0x6e: {  	[sflag:s19] =	ssyncadd.s32 $0xFFFFC000  }
0x6f: {  	_ =	swait.ge [sflag:s19], $0x4000  }
0x70: {  	[sflag:s19] =	ssyncset.done $0x0  }
0x71: {  	[sflag:s19] =	ssyncadd.s32 $0xFFFFC000  }
0x72: {  	_ =	swait.ge [sflag:s19], $0x4000  }
0x73: {  	[sflag:s19] =	ssyncset.done $0x0  }
0x74: {  	[sflag:s19] =	ssyncadd.s32 $0xFFFFC000  }
0x75: {  	_ =	swait.ge [sflag:s19], $0x4000  }
0x76: {  	[sflag:s19] =	ssyncset.done $0x0  }
0x77: {  	[sflag:s19] =	ssyncadd.s32 $0xFFFFC000  }
0x78: {  	[spmem:s2] =	stream.indirect.scatter.add.f32 [tilespmem:s3], [sflag:$0x1], $0x80, s18, s15, $0xb8;
	[tilespmem:$0x19400] =	vst v63  }
0x79: {  	_ = 	snop  }
0x7a: {  	[spmem:s2] =	stream.indirect.scatter.add.f32 [tilespmem:s3], [sflag:$0x1], $0x80, s11, s15, $0xb8;
	[tilespmem:$0x19400] =	vst v63  }
0x7b: {  	_ = 	snop  }
0x7c: {  	[spmem:s2] =	stream.indirect.scatter.add.f32 [tilespmem:s3], [sflag:$0x1], $0x80, s12, s15, $0xb8;
	[tilespmem:$0x19400] =	vst v63  }
0x7d: {  	_ = 	snop  }
0x7e: {  	[spmem:s2] =	stream.indirect.scatter.add.f32 [tilespmem:s3], [sflag:$0x1], $0x80, s20, s15, $0xb8;
	[tilespmem:$0x19400] =	vst v63  }
0x7f: {  	_ =	swait.ge [sflag:s19], $0x4000  }
0x80: {  	[sflag:s19] =	ssyncset.done $0x0  }
0x81: {  	[sflag:s19] =	ssyncadd.s32 $0xFFFFC000  }
0x82: {  	_ =	swait.ge [sflag:s19], $0x4000  }
0x83: {  	[sflag:s19] =	ssyncset.done $0x0  }
0x84: {  	[sflag:s19] =	ssyncadd.s32 $0xFFFFC000  }
0x85: {  	_ =	swait.ge [sflag:s19], $0x4000  }
0x86: {  	[sflag:s19] =	ssyncset.done $0x0  }
0x87: {  	[sflag:s19] =	ssyncadd.s32 $0xFFFFC000  }
0x88: {  	_ =	swait.ge [sflag:s19], $0x4000  }
0x89: {  	[sflag:s19] =	ssyncset.done $0x0  }
0x8a: {  	[sflag:s19] =	ssyncadd.s32 $0xFFFFC000  }
0x8b: {  	[spmem:s2] =	stream.indirect.scatter.add.f32 [tilespmem:s3], [sflag:$0x1], $0x80, s21, s15, $0xb8;
	[tilespmem:$0x19400] =	vst v63  }
0x8c: {  	_ = 	snop  }
0x8d: {  	[spmem:s2] =	stream.indirect.scatter.add.f32 [tilespmem:s3], [sflag:$0x1], $0x80, s22, s15, $0xb8;
	[tilespmem:$0x19400] =	vst v63  }
0x8e: {  	_ = 	snop  }
0x8f: {  	[spmem:s2] =	stream.indirect.scatter.add.f32 [tilespmem:s3], [sflag:$0x1], $0x80, s23, s15, $0xb8;
	[tilespmem:$0x19400] =	vst v63  }
0x90: {  	_ = 	snop  }
0x91: {  	[spmem:s2] =	stream.indirect.scatter.add.f32 [tilespmem:s3], [sflag:$0x1], $0x80, s24, s15, $0xb8;
	[tilespmem:$0x19400] =	vst v63  }
0x92: {  	_ =	swait.ge [sflag:s19], $0x4000  }
0x93: {  	[sflag:s19] =	ssyncset.done $0x0  }
0x94: {  	[sflag:s19] =	ssyncadd.s32 $0xFFFFC000  }
0x95: {  	_ =	swait.ge [sflag:s19], $0x4000  }
0x96: {  	[sflag:s19] =	ssyncset.done $0x0  }
0x97: {  	[sflag:s19] =	ssyncadd.s32 $0xFFFFC000  }
0x98: {  	_ =	swait.ge [sflag:s19], $0x4000  }
0x99: {  	[sflag:s19] =	ssyncset.done $0x0  }
0x9a: {  	[sflag:s19] =	ssyncadd.s32 $0xFFFFC000  }
0x9b: {  	_ =	swait.ge [sflag:s19], $0x4000  }
0x9c: {  	[sflag:s19] =	ssyncset.done $0x0  }
0x9d: {  	[sflag:s19] =	ssyncadd.s32 $0xFFFFC000  }
0x9e: {  	[spmem:s2] =	stream.indirect.scatter.add.f32 [tilespmem:s3], [sflag:$0x1], $0x80, s25, s15, $0xb8;
	[tilespmem:$0x19400] =	vst v63  }
0x9f: {  	_ = 	snop  }
0xa0: {  	[spmem:s2] =	stream.indirect.scatter.add.f32 [tilespmem:s3], [sflag:$0x1], $0x80, s26, s15, $0xb8;
	[tilespmem:$0x19400] =	vst v63  }
0xa1: {  	_ = 	snop  }
0xa2: {  	[spmem:s2] =	stream.indirect.scatter.add.f32 [tilespmem:s3], [sflag:$0x1], $0x80, s28, s15, $0xb8;
	[tilespmem:$0x19400] =	vst v63  }
0xa3: {  	_ = 	snop  }
0xa4: {  	[spmem:s2] =	stream.indirect.scatter.add.f32 [tilespmem:s3], [sflag:$0x1], $0x80, s29, s15, $0xb8;
	[tilespmem:$0x19400] =	vst v63  }
0xa5: {  	_ =	swait.ge [sflag:s19], $0x4000  }
0xa6: {  	[sflag:s19] =	ssyncset.done $0x0  }
0xa7: {  	[sflag:s19] =	ssyncadd.s32 $0xFFFFC000  }
0xa8: {  	_ =	swait.ge [sflag:s19], $0x4000  }
0xa9: {  	[sflag:s19] =	ssyncset.done $0x0  }
0xaa: {  	[sflag:s19] =	ssyncadd.s32 $0xFFFFC000  }
0xab: {  	_ =	swait.ge [sflag:s19], $0x4000  }
0xac: {  	[sflag:s19] =	ssyncset.done $0x0  }
0xad: {  	[sflag:s19] =	ssyncadd.s32 $0xFFFFC000  }
0xae: {  	_ =	swait.ge [sflag:s19], $0x4000  }
0xaf: {  	[sflag:s19] =	ssyncset.done $0x0  }
0xb0: {  	[sflag:s19] =	ssyncadd.s32 $0xFFFFC000  }
0xb1: {  	[spmem:s2] =	stream.indirect.scatter.add.f32 [tilespmem:s3], [sflag:$0x1], $0x80, s30, s15, $0xb8;
	[tilespmem:$0x19400] =	vst v63  }
0xb2: {  	_ = 	snop  }
0xb3: {  	[spmem:s2] =	stream.indirect.scatter.add.f32 [tilespmem:s3], [sflag:$0x1], $0x80, s31, s15, $0xb8;
	[tilespmem:$0x19400] =	vst v63  }
0xb4: {  	s1 =	simm.s32 $0x4B00  }
0xb5: {  	[spmem:s2] =	stream.indirect.scatter.add.f32 [tilespmem:s3], [sflag:$0x1], $0x80, s1, s15, $0xb8;
	[tilespmem:$0x19400] =	vst v63  }
0xb6: {  	_ = 	snop  }
0xb7: {  	[spmem:s2] =	stream.indirect.scatter.add.f32 [tilespmem:s3], [sflag:$0x1], $0x80, s14, s15, $0xb8;
	[tilespmem:$0x19400] =	vst v63  }
0xb8: {  	_ =	swait.ge [sflag:s19], $0x4000  }
0xb9: {  	[sflag:s19] =	ssyncset.done $0x0  }
0xba: {  	[sflag:s19] =	ssyncadd.s32 $0xFFFFC000  }
0xbb: {  	_ =	swait.ge [sflag:s19], $0x4000  }
0xbc: {  	[sflag:s19] =	ssyncset.done $0x0  }
0xbd: {  	[sflag:s19] =	ssyncadd.s32 $0xFFFFC000  }
0xbe: {  	_ =	swait.ge [sflag:s19], $0x4000  }
0xbf: {  	[sflag:s19] =	ssyncset.done $0x0  }
0xc0: {  	[sflag:s19] =	ssyncadd.s32 $0xFFFFC000  }
0xc1: {  	_ =	swait.ge [sflag:s19], $0x4000  }
0xc2: {  	[sflag:s19] =	ssyncset.done $0x0  }
0xc3: {  	s5 =	simm.s32 $0x4C00;
	[sflag:s19] =	ssyncadd.s32 $0xFFFFC000  }
0xc4: {  	[spmem:s2] =	stream.indirect.scatter.add.f32 [tilespmem:s3], [sflag:$0x1], $0x80, s5, s15, $0xb8;
	[tilespmem:$0x19400] =	vst v63  }
0xc5: {  	s5 =	simm.s32 $0x4C80  }
0xc6: {  	[spmem:s2] =	stream.indirect.scatter.add.f32 [tilespmem:s3], [sflag:$0x1], $0x80, s5, s15, $0xb8;
	[tilespmem:$0x19400] =	vst v63  }
0xc7: {  	s5 =	simm.s32 $0x4D00  }
0xc8: {  	[spmem:s2] =	stream.indirect.scatter.add.f32 [tilespmem:s3], [sflag:$0x1], $0x80, s5, s15, $0xb8;
	[tilespmem:$0x19400] =	vst v63  }
0xc9: {  	s5 =	simm.s32 $0x4D80  }
0xca: {  	[spmem:s2] =	stream.indirect.scatter.add.f32 [tilespmem:s3], [sflag:$0x1], $0x80, s5, s15, $0xb8;
	[tilespmem:$0x19400] =	vst v63  }
0xcb: {  	_ =	swait.ge [sflag:s19], $0x4000  }
0xcc: {  	[sflag:s19] =	ssyncset.done $0x0  }
0xcd: {  	[sflag:s19] =	ssyncadd.s32 $0xFFFFC000  }
0xce: {  	_ =	swait.ge [sflag:s19], $0x4000  }
0xcf: {  	[sflag:s19] =	ssyncset.done $0x0  }
0xd0: {  	[sflag:s19] =	ssyncadd.s32 $0xFFFFC000  }
0xd1: {  	_ =	swait.ge [sflag:s19], $0x4000  }
0xd2: {  	[sflag:s19] =	ssyncset.done $0x0  }
0xd3: {  	[sflag:s19] =	ssyncadd.s32 $0xFFFFC000  }
0xd4: {  	_ =	swait.ge [sflag:s19], $0x4000  }
0xd5: {  	[sflag:s19] =	ssyncset.done $0x0  }
0xd6: {  	s5 =	simm.s32 $0x4E00;
	[sflag:s19] =	ssyncadd.s32 $0xFFFFC000  }
0xd7: {  	[spmem:s2] =	stream.indirect.scatter.add.f32 [tilespmem:s3], [sflag:$0x1], $0x80, s5, s15, $0xb8;
	[tilespmem:$0x19400] =	vst v63  }
0xd8: {  	s5 =	simm.s32 $0x4E80  }
0xd9: {  	[spmem:s2] =	stream.indirect.scatter.add.f32 [tilespmem:s3], [sflag:$0x1], $0x80, s5, s15, $0xb8;
	[tilespmem:$0x19400] =	vst v63  }
0xda: {  	s5 =	simm.s32 $0x4F00  }
0xdb: {  	[spmem:s2] =	stream.indirect.scatter.add.f32 [tilespmem:s3], [sflag:$0x1], $0x80, s5, s15, $0xb8;
	[tilespmem:$0x19400] =	vst v63  }
0xdc: {  	s5 =	simm.s32 $0x4F80  }
0xdd: {  	[spmem:s2] =	stream.indirect.scatter.add.f32 [tilespmem:s3], [sflag:$0x1], $0x80, s5, s15, $0xb8;
	[tilespmem:$0x19400] =	vst v63  }
0xde: {  	_ =	swait.ge [sflag:s19], $0x4000  }
0xdf: {  	[sflag:s19] =	ssyncset.done $0x0  }
0xe0: {  	[sflag:s19] =	ssyncadd.s32 $0xFFFFC000  }
0xe1: {  	_ =	swait.ge [sflag:s19], $0x4000  }
0xe2: {  	[sflag:s19] =	ssyncset.done $0x0  }
0xe3: {  	[sflag:s19] =	ssyncadd.s32 $0xFFFFC000  }
0xe4: {  	_ =	swait.ge [sflag:s19], $0x4000  }
0xe5: {  	[sflag:s19] =	ssyncset.done $0x0  }
0xe6: {  	[sflag:s19] =	ssyncadd.s32 $0xFFFFC000  }
0xe7: {  	_ =	swait.ge [sflag:s19], $0x4000  }
0xe8: {  	[sflag:s19] =	ssyncset.done $0x0  }
0xe9: {  	s5 =	simm.s32 $0x5000;
	[sflag:s19] =	ssyncadd.s32 $0xFFFFC000  }
0xea: {  	[spmem:s2] =	stream.indirect.scatter.add.f32 [tilespmem:s3], [sflag:$0x1], $0x80, s5, s15, $0xb8;
	[tilespmem:$0x19400] =	vst v63  }
0xeb: {  	s5 =	simm.s32 $0x5080  }
0xec: {  	[spmem:s2] =	stream.indirect.scatter.add.f32 [tilespmem:s3], [sflag:$0x1], $0x80, s5, s15, $0xb8;
	[tilespmem:$0x19400] =	vst v63  }
0xed: {  	s5 =	simm.s32 $0x5100  }
0xee: {  	[spmem:s2] =	stream.indirect.scatter.add.f32 [tilespmem:s3], [sflag:$0x1], $0x80, s5, s15, $0xb8;
	[tilespmem:$0x19400] =	vst v63  }
0xef: {  	s5 =	simm.s32 $0x5180  }
0xf0: {  	[spmem:s2] =	stream.indirect.scatter.add.f32 [tilespmem:s3], [sflag:$0x1], $0x80, s5, s15, $0xb8;
	[tilespmem:$0x19400] =	vst v63  }
0xf1: {  	_ =	swait.ge [sflag:s19], $0x4000  }
0xf2: {  	[sflag:s19] =	ssyncset.done $0x0  }
0xf3: {  	[sflag:s19] =	ssyncadd.s32 $0xFFFFC000  }
0xf4: {  	_ =	swait.ge [sflag:s19], $0x4000  }
0xf5: {  	[sflag:s19] =	ssyncset.done $0x0  }
0xf6: {  	[sflag:s19] =	ssyncadd.s32 $0xFFFFC000  }
0xf7: {  	_ =	swait.ge [sflag:s19], $0x4000  }
0xf8: {  	[sflag:s19] =	ssyncset.done $0x0  }
0xf9: {  	[sflag:s19] =	ssyncadd.s32 $0xFFFFC000  }
0xfa: {  	_ =	swait.ge [sflag:s19], $0x4000  }
0xfb: {  	[sflag:s19] =	ssyncset.done $0x0  }
0xfc: {  	s5 =	simm.s32 $0x5200;
	[sflag:s19] =	ssyncadd.s32 $0xFFFFC000  }
0xfd: {  	[spmem:s2] =	stream.indirect.scatter.add.f32 [tilespmem:s3], [sflag:$0x1], $0x80, s5, s15, $0xb8;
	[tilespmem:$0x19400] =	vst v63  }
0xfe: {  	s5 =	simm.s32 $0x5280  }
0xff: {  	[spmem:s2] =	stream.indirect.scatter.add.f32 [tilespmem:s3], [sflag:$0x1], $0x80, s5, s15, $0xb8;
	[tilespmem:$0x19400] =	vst v63  }
0x100: {  	s5 =	simm.s32 $0x5300  }
0x101: {  	[spmem:s2] =	stream.indirect.scatter.add.f32 [tilespmem:s3], [sflag:$0x1], $0x80, s5, s15, $0xb8;
	[tilespmem:$0x19400] =	vst v63  }
0x102: {  	s5 =	simm.s32 $0x5380  }
0x103: {  	[spmem:s2] =	stream.indirect.scatter.add.f32 [tilespmem:s3], [sflag:$0x1], $0x80, s5, s15, $0xb8;
	[tilespmem:$0x19400] =	vst v63  }
0x104: {  	_ =	swait.ge [sflag:s19], $0x4000  }
0x105: {  	[sflag:s19] =	ssyncset.done $0x0  }
0x106: {  	[sflag:s19] =	ssyncadd.s32 $0xFFFFC000  }
0x107: {  	_ =	swait.ge [sflag:s19], $0x4000  }
0x108: {  	[sflag:s19] =	ssyncset.done $0x0  }
0x109: {  	[sflag:s19] =	ssyncadd.s32 $0xFFFFC000  }
0x10a: {  	_ =	swait.ge [sflag:s19], $0x4000  }
0x10b: {  	[sflag:s19] =	ssyncset.done $0x0  }
0x10c: {  	[sflag:s19] =	ssyncadd.s32 $0xFFFFC000  }
0x10d: {  	_ =	swait.ge [sflag:s19], $0x4000  }
0x10e: {  	[sflag:s19] =	ssyncset.done $0x0  }
0x10f: {  	s5 =	rddreg [dreg:$0x8];
	[sflag:s19] =	ssyncadd.s32 $0xFFFFC000  }
0x110: {  	[tilespmem:s4], [sflag:$0x2] =	stream.linear.gather [hbm4b:s5+s3], $0x1400, $0x38;
	[tilespmem:$0x19400] =	vst v63  }
0x111: {  	_ =	swait.ge [sflag:s13], $0x1400  }
0x112: {  	[sflag:s13] =	ssyncset.done $0x0  }
0x113: {  	[sflag:s13] =	ssyncadd.s32 $0xFFFFEC00  }
0x114: {  	[spmem:s2] =	stream.indirect.scatter.add.f32 [tilespmem:s3], [sflag:$0x1], $0x80, s4, s15, $0xb8;
	[tilespmem:$0x19400] =	vst v63  }
0x115: {  	_ = 	snop  }
0x116: {  	[spmem:s2] =	stream.indirect.scatter.add.f32 [tilespmem:s3], [sflag:$0x1], $0x80, s6, s15, $0xb8;
	[tilespmem:$0x19400] =	vst v63  }
0x117: {  	_ = 	snop  }
0x118: {  	[spmem:s2] =	stream.indirect.scatter.add.f32 [tilespmem:s3], [sflag:$0x1], $0x80, s7, s15, $0xb8;
	[tilespmem:$0x19400] =	vst v63  }
0x119: {  	_ = 	snop  }
0x11a: {  	[spmem:s2] =	stream.indirect.scatter.add.f32 [tilespmem:s3], [sflag:$0x1], $0x80, s8, s15, $0xb8;
	[tilespmem:$0x19400] =	vst v63  }
0x11b: {  	_ =	swait.ge [sflag:s19], $0x4000  }
0x11c: {  	[sflag:s19] =	ssyncset.done $0x0  }
0x11d: {  	[sflag:s19] =	ssyncadd.s32 $0xFFFFC000  }
0x11e: {  	_ =	swait.ge [sflag:s19], $0x4000  }
0x11f: {  	[sflag:s19] =	ssyncset.done $0x0  }
0x120: {  	[sflag:s19] =	ssyncadd.s32 $0xFFFFC000  }
0x121: {  	_ =	swait.ge [sflag:s19], $0x4000  }
0x122: {  	[sflag:s19] =	ssyncset.done $0x0  }
0x123: {  	[sflag:s19] =	ssyncadd.s32 $0xFFFFC000  }
0x124: {  	_ =	swait.ge [sflag:s19], $0x4000  }
0x125: {  	[sflag:s19] =	ssyncset.done $0x0  }
0x126: {  	[sflag:s19] =	ssyncadd.s32 $0xFFFFC000  }
0x127: {  	[spmem:s2] =	stream.indirect.scatter.add.f32 [tilespmem:s3], [sflag:$0x1], $0x80, s16, s15, $0xb8;
	[tilespmem:$0x19400] =	vst v63  }
0x128: {  	_ = 	snop  }
0x129: {  	[spmem:s2] =	stream.indirect.scatter.add.f32 [tilespmem:s3], [sflag:$0x1], $0x80, s9, s15, $0xb8;
	[tilespmem:$0x19400] =	vst v63  }
0x12a: {  	_ = 	snop  }
0x12b: {  	[spmem:s2] =	stream.indirect.scatter.add.f32 [tilespmem:s3], [sflag:$0x1], $0x80, s17, s15, $0xb8;
	[tilespmem:$0x19400] =	vst v63  }
0x12c: {  	_ = 	snop  }
0x12d: {  	[spmem:s2] =	stream.indirect.scatter.add.f32 [tilespmem:s3], [sflag:$0x1], $0x80, s10, s15, $0xb8;
	[tilespmem:$0x19400] =	vst v63  }
0x12e: {  	_ =	swait.ge [sflag:s19], $0x4000  }
0x12f: {  	[sflag:s19] =	ssyncset.done $0x0  }
0x130: {  	[sflag:s19] =	ssyncadd.s32 $0xFFFFC000  }
0x131: {  	_ =	swait.ge [sflag:s19], $0x4000  }
0x132: {  	[sflag:s19] =	ssyncset.done $0x0  }
0x133: {  	[sflag:s19] =	ssyncadd.s32 $0xFFFFC000  }
0x134: {  	_ =	swait.ge [sflag:s19], $0x4000  }
0x135: {  	[sflag:s19] =	ssyncset.done $0x0  }
0x136: {  	[sflag:s19] =	ssyncadd.s32 $0xFFFFC000  }
0x137: {  	_ =	swait.ge [sflag:s19], $0x4000  }
0x138: {  	[sflag:s19] =	ssyncset.done $0x0  }
0x139: {  	[sflag:s19] =	ssyncadd.s32 $0xFFFFC000  }
0x13a: {  	[spmem:s2] =	stream.indirect.scatter.add.f32 [tilespmem:s3], [sflag:$0x1], $0x80, s18, s15, $0xb8;
	[tilespmem:$0x19400] =	vst v63  }
0x13b: {  	_ = 	snop  }
0x13c: {  	[spmem:s2] =	stream.indirect.scatter.add.f32 [tilespmem:s3], [sflag:$0x1], $0x80, s11, s15, $0xb8;
	[tilespmem:$0x19400] =	vst v63  }
0x13d: {  	_ = 	snop  }
0x13e: {  	[spmem:s2] =	stream.indirect.scatter.add.f32 [tilespmem:s3], [sflag:$0x1], $0x80, s12, s15, $0xb8;
	[tilespmem:$0x19400] =	vst v63  }
0x13f: {  	_ = 	snop  }
0x140: {  	[spmem:s2] =	stream.indirect.scatter.add.f32 [tilespmem:s3], [sflag:$0x1], $0x80, s20, s15, $0xb8;
	[tilespmem:$0x19400] =	vst v63  }
0x141: {  	_ =	swait.ge [sflag:s19], $0x4000  }
0x142: {  	[sflag:s19] =	ssyncset.done $0x0  }
0x143: {  	[sflag:s19] =	ssyncadd.s32 $0xFFFFC000  }
0x144: {  	_ =	swait.ge [sflag:s19], $0x4000  }
0x145: {  	[sflag:s19] =	ssyncset.done $0x0  }
0x146: {  	[sflag:s19] =	ssyncadd.s32 $0xFFFFC000  }
0x147: {  	_ =	swait.ge [sflag:s19], $0x4000  }
0x148: {  	[sflag:s19] =	ssyncset.done $0x0  }
0x149: {  	[sflag:s19] =	ssyncadd.s32 $0xFFFFC000  }
0x14a: {  	_ =	swait.ge [sflag:s19], $0x4000  }
0x14b: {  	[sflag:s19] =	ssyncset.done $0x0  }
0x14c: {  	[sflag:s19] =	ssyncadd.s32 $0xFFFFC000  }
0x14d: {  	[spmem:s2] =	stream.indirect.scatter.add.f32 [tilespmem:s3], [sflag:$0x1], $0x80, s21, s15, $0xb8;
	[tilespmem:$0x19400] =	vst v63  }
0x14e: {  	_ = 	snop  }
0x14f: {  	[spmem:s2] =	stream.indirect.scatter.add.f32 [tilespmem:s3], [sflag:$0x1], $0x80, s22, s15, $0xb8;
	[tilespmem:$0x19400] =	vst v63  }
0x150: {  	_ = 	snop  }
0x151: {  	[spmem:s2] =	stream.indirect.scatter.add.f32 [tilespmem:s3], [sflag:$0x1], $0x80, s23, s15, $0xb8;
	[tilespmem:$0x19400] =	vst v63  }
0x152: {  	_ = 	snop  }
0x153: {  	[spmem:s2] =	stream.indirect.scatter.add.f32 [tilespmem:s3], [sflag:$0x1], $0x80, s24, s15, $0xb8;
	[tilespmem:$0x19400] =	vst v63  }
0x154: {  	_ =	swait.ge [sflag:s19], $0x4000  }
0x155: {  	[sflag:s19] =	ssyncset.done $0x0  }
0x156: {  	[sflag:s19] =	ssyncadd.s32 $0xFFFFC000  }
0x157: {  	_ =	swait.ge [sflag:s19], $0x4000  }
0x158: {  	[sflag:s19] =	ssyncset.done $0x0  }
0x159: {  	[sflag:s19] =	ssyncadd.s32 $0xFFFFC000  }
0x15a: {  	_ =	swait.ge [sflag:s19], $0x4000  }
0x15b: {  	[sflag:s19] =	ssyncset.done $0x0  }
0x15c: {  	[sflag:s19] =	ssyncadd.s32 $0xFFFFC000  }
0x15d: {  	_ =	swait.ge [sflag:s19], $0x4000  }
0x15e: {  	[sflag:s19] =	ssyncset.done $0x0  }
0x15f: {  	[sflag:s19] =	ssyncadd.s32 $0xFFFFC000  }
0x160: {  	[spmem:s2] =	stream.indirect.scatter.add.f32 [tilespmem:s3], [sflag:$0x1], $0x80, s25, s15, $0xb8;
	[tilespmem:$0x19400] =	vst v63  }
0x161: {  	_ = 	snop  }
0x162: {  	[spmem:s2] =	stream.indirect.scatter.add.f32 [tilespmem:s3], [sflag:$0x1], $0x80, s26, s15, $0xb8;
	[tilespmem:$0x19400] =	vst v63  }
0x163: {  	_ = 	snop  }
0x164: {  	[spmem:s2] =	stream.indirect.scatter.add.f32 [tilespmem:s3], [sflag:$0x1], $0x80, s28, s15, $0xb8;
	[tilespmem:$0x19400] =	vst v63  }
0x165: {  	_ = 	snop  }
0x166: {  	[spmem:s2] =	stream.indirect.scatter.add.f32 [tilespmem:s3], [sflag:$0x1], $0x80, s29, s15, $0xb8;
	[tilespmem:$0x19400] =	vst v63  }
0x167: {  	_ =	swait.ge [sflag:s19], $0x4000  }
0x168: {  	[sflag:s19] =	ssyncset.done $0x0  }
0x169: {  	[sflag:s19] =	ssyncadd.s32 $0xFFFFC000  }
0x16a: {  	_ =	swait.ge [sflag:s19], $0x4000  }
0x16b: {  	[sflag:s19] =	ssyncset.done $0x0  }
0x16c: {  	[sflag:s19] =	ssyncadd.s32 $0xFFFFC000  }
0x16d: {  	_ =	swait.ge [sflag:s19], $0x4000  }
0x16e: {  	[sflag:s19] =	ssyncset.done $0x0  }
0x16f: {  	[sflag:s19] =	ssyncadd.s32 $0xFFFFC000  }
0x170: {  	_ =	swait.ge [sflag:s19], $0x4000  }
0x171: {  	[sflag:s19] =	ssyncset.done $0x0  }
0x172: {  	[sflag:s19] =	ssyncadd.s32 $0xFFFFC000  }
0x173: {  	[spmem:s2] =	stream.indirect.scatter.add.f32 [tilespmem:s3], [sflag:$0x1], $0x80, s30, s15, $0xb8;
	[tilespmem:$0x19400] =	vst v63  }
0x174: {  	_ = 	snop  }
0x175: {  	[spmem:s2] =	stream.indirect.scatter.add.f32 [tilespmem:s3], [sflag:$0x1], $0x80, s31, s15, $0xb8;
	[tilespmem:$0x19400] =	vst v63  }
0x176: {  	_ = 	snop  }
0x177: {  	[spmem:s2] =	stream.indirect.scatter.add.f32 [tilespmem:s3], [sflag:$0x1], $0x80, s1, s15, $0xb8;
	[tilespmem:$0x19400] =	vst v63  }
0x178: {  	_ = 	snop  }
0x179: {  	[spmem:s2] =	stream.indirect.scatter.add.f32 [tilespmem:s3], [sflag:$0x1], $0x80, s14, s15, $0xb8;
	[tilespmem:$0x19400] =	vst v63  }
0x17a: {  	_ =	swait.ge [sflag:s19], $0x4000  }
0x17b: {  	[sflag:s19] =	ssyncset.done $0x0  }
0x17c: {  	[sflag:s19] =	ssyncadd.s32 $0xFFFFC000  }
0x17d: {  	_ =	swait.ge [sflag:s19], $0x4000  }
0x17e: {  	[sflag:s19] =	ssyncset.done $0x0  }
0x17f: {  	[sflag:s19] =	ssyncadd.s32 $0xFFFFC000  }
0x180: {  	_ =	swait.ge [sflag:s19], $0x4000  }
0x181: {  	[sflag:s19] =	ssyncset.done $0x0  }
0x182: {  	[sflag:s19] =	ssyncadd.s32 $0xFFFFC000  }
0x183: {  	_ =	swait.ge [sflag:s19], $0x4000  }
0x184: {  	[sflag:s19] =	ssyncset.done $0x0  }
0x185: {  	s6 =	simm.s32 $0x4C00;
	[sflag:s19] =	ssyncadd.s32 $0xFFFFC000  }
0x186: {  	[spmem:s2] =	stream.indirect.scatter.add.f32 [tilespmem:s3], [sflag:$0x1], $0x80, s6, s15, $0xb8;
	[tilespmem:$0x19400] =	vst v63  }
0x187: {  	s7 =	simm.s32 $0x4C80  }
0x188: {  	[spmem:s2] =	stream.indirect.scatter.add.f32 [tilespmem:s3], [sflag:$0x1], $0x80, s7, s15, $0xb8;
	[tilespmem:$0x19400] =	vst v63  }
0x189: {  	s4 =	simm.s32 $0x4D00  }
0x18a: {  	[spmem:s2] =	stream.indirect.scatter.add.f32 [tilespmem:s3], [sflag:$0x1], $0x80, s4, s15, $0xb8;
	[tilespmem:$0x19400] =	vst v63  }
0x18b: {  	s5 =	simm.s32 $0x4D80  }
0x18c: {  	[spmem:s2] =	stream.indirect.scatter.add.f32 [tilespmem:s3], [sflag:$0x1], $0x80, s5, s15, $0xb8;
	[tilespmem:$0x19400] =	vst v63  }
0x18d: {  	_ =	swait.ge [sflag:s19], $0x4000  }
0x18e: {  	[sflag:s19] =	ssyncset.done $0x0  }
0x18f: {  	[sflag:s19] =	ssyncadd.s32 $0xFFFFC000  }
0x190: {  	_ =	swait.ge [sflag:s19], $0x4000  }
0x191: {  	[sflag:s19] =	ssyncset.done $0x0  }
0x192: {  	[sflag:s19] =	ssyncadd.s32 $0xFFFFC000  }
0x193: {  	_ =	swait.ge [sflag:s19], $0x4000  }
0x194: {  	[sflag:s19] =	ssyncset.done $0x0  }
0x195: {  	[sflag:s19] =	ssyncadd.s32 $0xFFFFC000  }
0x196: {  	_ =	swait.ge [sflag:s19], $0x4000  }
0x197: {  	[sflag:s19] =	ssyncset.done $0x0  }
0x198: {  	s6 =	simm.s32 $0x4E00;
	[sflag:s19] =	ssyncadd.s32 $0xFFFFC000  }
0x199: {  	[spmem:s2] =	stream.indirect.scatter.add.f32 [tilespmem:s3], [sflag:$0x1], $0x80, s6, s15, $0xb8;
	[tilespmem:$0x19400] =	vst v63  }
0x19a: {  	s7 =	simm.s32 $0x4E80  }
0x19b: {  	[spmem:s2] =	stream.indirect.scatter.add.f32 [tilespmem:s3], [sflag:$0x1], $0x80, s7, s15, $0xb8;
	[tilespmem:$0x19400] =	vst v63  }
0x19c: {  	s4 =	simm.s32 $0x4F00  }
0x19d: {  	[spmem:s2] =	stream.indirect.scatter.add.f32 [tilespmem:s3], [sflag:$0x1], $0x80, s4, s15, $0xb8;
	[tilespmem:$0x19400] =	vst v63  }
0x19e: {  	s5 =	simm.s32 $0x4F80  }
0x19f: {  	[spmem:s2] =	stream.indirect.scatter.add.f32 [tilespmem:s3], [sflag:$0x1], $0x80, s5, s15, $0xb8;
	[tilespmem:$0x19400] =	vst v63  }
0x1a0: {  	_ =	swait.ge [sflag:s19], $0x4000  }
0x1a1: {  	[sflag:s19] =	ssyncset.done $0x0  }
0x1a2: {  	[sflag:s19] =	ssyncadd.s32 $0xFFFFC000  }
0x1a3: {  	_ =	swait.ge [sflag:s19], $0x4000  }
0x1a4: {  	[sflag:s19] =	ssyncset.done $0x0  }
0x1a5: {  	[sflag:s19] =	ssyncadd.s32 $0xFFFFC000  }
0x1a6: {  	_ =	swait.ge [sflag:s19], $0x4000  }
0x1a7: {  	[sflag:s19] =	ssyncset.done $0x0  }
0x1a8: {  	[sflag:s19] =	ssyncadd.s32 $0xFFFFC000  }
0x1a9: {  	_ =	swait.ge [sflag:s19], $0x4000  }
0x1aa: {  	[sflag:s19] =	ssyncset.done $0x0  }
0x1ab: {  	s6 =	simm.s32 $0x5000;
	[sflag:s19] =	ssyncadd.s32 $0xFFFFC000  }
0x1ac: {  	[spmem:s2] =	stream.indirect.scatter.add.f32 [tilespmem:s3], [sflag:$0x1], $0x80, s6, s15, $0xb8;
	[tilespmem:$0x19400] =	vst v63  }
0x1ad: {  	s7 =	simm.s32 $0x5080  }
0x1ae: {  	[spmem:s2] =	stream.indirect.scatter.add.f32 [tilespmem:s3], [sflag:$0x1], $0x80, s7, s15, $0xb8;
	[tilespmem:$0x19400] =	vst v63  }
0x1af: {  	s4 =	simm.s32 $0x5100  }
0x1b0: {  	[spmem:s2] =	stream.indirect.scatter.add.f32 [tilespmem:s3], [sflag:$0x1], $0x80, s4, s15, $0xb8;
	[tilespmem:$0x19400] =	vst v63  }
0x1b1: {  	s5 =	simm.s32 $0x5180  }
0x1b2: {  	[spmem:s2] =	stream.indirect.scatter.add.f32 [tilespmem:s3], [sflag:$0x1], $0x80, s5, s15, $0xb8;
	[tilespmem:$0x19400] =	vst v63  }
0x1b3: {  	_ =	swait.ge [sflag:s19], $0x4000  }
0x1b4: {  	[sflag:s19] =	ssyncset.done $0x0  }
0x1b5: {  	[sflag:s19] =	ssyncadd.s32 $0xFFFFC000  }
0x1b6: {  	_ =	swait.ge [sflag:s19], $0x4000  }
0x1b7: {  	[sflag:s19] =	ssyncset.done $0x0  }
0x1b8: {  	[sflag:s19] =	ssyncadd.s32 $0xFFFFC000  }
0x1b9: {  	_ =	swait.ge [sflag:s19], $0x4000  }
0x1ba: {  	[sflag:s19] =	ssyncset.done $0x0  }
0x1bb: {  	[sflag:s19] =	ssyncadd.s32 $0xFFFFC000  }
0x1bc: {  	_ =	swait.ge [sflag:s19], $0x4000  }
0x1bd: {  	[sflag:s19] =	ssyncset.done $0x0  }
0x1be: {  	s6 =	simm.s32 $0x5200;
	[sflag:s19] =	ssyncadd.s32 $0xFFFFC000  }
0x1bf: {  	[spmem:s2] =	stream.indirect.scatter.add.f32 [tilespmem:s3], [sflag:$0x1], $0x80, s6, s15, $0xb8;
	[tilespmem:$0x19400] =	vst v63  }
0x1c0: {  	s7 =	simm.s32 $0x5280  }
0x1c1: {  	[spmem:s2] =	stream.indirect.scatter.add.f32 [tilespmem:s3], [sflag:$0x1], $0x80, s7, s15, $0xb8;
	[tilespmem:$0x19400] =	vst v63  }
0x1c2: {  	s4 =	simm.s32 $0x5300  }
0x1c3: {  	[spmem:s2] =	stream.indirect.scatter.add.f32 [tilespmem:s3], [sflag:$0x1], $0x80, s4, s15, $0xb8;
	[tilespmem:$0x19400] =	vst v63  }
0x1c4: {  	s5 =	simm.s32 $0x5380  }
0x1c5: {  	[spmem:s2] =	stream.indirect.scatter.add.f32 [tilespmem:s3], [sflag:$0x1], $0x80, s5, s15, $0xb8;
	[tilespmem:$0x19400] =	vst v63  }
0x1c6: {  	_ =	swait.ge [sflag:s19], $0x4000  }
0x1c7: {  	[sflag:s19] =	ssyncset.done $0x0  }
0x1c8: {  	[sflag:s19] =	ssyncadd.s32 $0xFFFFC000  }
0x1c9: {  	_ =	swait.ge [sflag:s19], $0x4000  }
0x1ca: {  	[sflag:s19] =	ssyncset.done $0x0  }
0x1cb: {  	[sflag:s19] =	ssyncadd.s32 $0xFFFFC000  }
0x1cc: {  	_ =	swait.ge [sflag:s19], $0x4000  }
0x1cd: {  	[sflag:s19] =	ssyncset.done $0x0  }
0x1ce: {  	[sflag:s19] =	ssyncadd.s32 $0xFFFFC000  }
0x1cf: {  	_ =	swait.ge [sflag:s19], $0x4000  }
0x1d0: {  	[sflag:s19] =	ssyncset.done $0x0  }
0x1d1: {  	[sflag:s19] =	ssyncadd.s32 $0xFFFFC000  }
0x1d2: {  	s6 =	stileid.u32;
	[bflag:$0x0] =	sbarrier.arrive $0xFFFF  }
0x1d3: {  	s5 =	sshll.u32 s6, $0x6;
	s4 =	rddreg [dreg:$0xb]  }
0x1d4: {  	s5 =	sor.u32 $0x1C02, s5;
	s1 =	rddreg [dreg:$0x9];
	s7 =	sshrl.u32 s4, $0x3  }
0x1d5: {  	[hbm:s1], [sflag:s5] =	dma.local [spmem:s7], $0x2800  }
0x1d6: {  	_ =	swait.ge [sflag:s13], $0x2800  }
0x1d7: {  	s0 =	sadd.s32 $0x1, s0;
	s7 =	rddreg [dreg:$0xa]  }
0x1d8: {  	p0 =	sne.s32 s0, s7  }
.Ltmp2:
0x1d9: {  	_ = 	snop;
	(pc) =	sbr.rel @p0 .LBB2_1-.Ltmp2, $3  }
0x1da: {  	_ =	sdelay $0x1  }
0x1db: {  	[sflag:s13] =	ssyncset.done $0x0  }
0x1dc: {  	[sflag:s13] =	ssyncadd.s32 $0xFFFFD800  }
0x1dd: {  	_ =	sfence.sel $0x180000  }
0x1de: {  	[bflag:$0x0] =	sbarrier.arrive $0xFFFF  }
0x1df: {  	_ =	strace $0x90000047  }
0x1e0: {  	s0 =	stileid.u32;
	[bflag:$0x2] =	sbarrier.arrive $0xFFFF  }
0x1e1: {  	p0 =	sne.s32 s0, $0x0;
	s0 =	rddreg [dreg:$0x2]  }
0x1e2: {  	s0 =	sadd.s32 @!p0 $0x100000, s0  }
0x1e3: {  	[sflag:s0] =	ssyncadd.tile.s32 @!p0 $0x1;
	_ =	shalt  }
.Lfunc_end2:
_tile_overlayer_lowered:
.L_overlay_start_2:
0x1e4: {  	(tag) =	ssettag $0x2  }
0x1e5: {  	s0 =	rddreg [dreg:$0x0];
	s2 =	stileid.u32  }
0x1e6: {  	s1 =	rddreg [dreg:$0x1];
	p0 =	sne.s32 s2, $0x0  }
0x1e7: {  	s3 =	rddreg [dreg:$0x2];
	[bflag:$0x3] =	sbarrier.arrive $0xFFFF;
	s2 =	simm.s32 @!p0 $0x1C02  }
0x1e8: {  	[timem:s3], [sflag:s2] =	dma.local @!p0 [hbm:s0], s1  }
0x1e9: {  	s0 =	simm.s32 @!p0 $0x2  }
0x1ea: {  	_ =	swait.ge @!p0 [sflag:s0], s1  }
0x1eb: {  	s1 =	ssub.s32 @!p0 $0x0, s1;
	[sflag:s0] =	ssyncset.done @!p0 $0x0  }
0x1ec: {  	[sflag:s0] =	ssyncadd.s32 @!p0 s1  }
0x1ed: {  	[bflag:$0x3] =	sbarrier.arrive $0xFFFF  }
0x1ee: {  	_ =	shalt  }

// kernel: kernel.9.cloned.1.call-start
scs
__scs_entry_jumppad:
0x0: {  	(pc) =	sbr.rel $0x88, $3  }
0x1: {  	(tag) =	ssettag $0x0;
	lr =	simm.s32 $0x1  }
0x2: {  	[smem:$0x3F95] =	sst lr;
	_ =	strace $0xD0000000  }
0x3: {  	_ = 	snop  }
0x4: {  	_ = 	snop  }
0x5: {  	_ = 	snop  }
0x6: {  	_ = 	snop  }
0x7: {  	_ = 	snop  }
__scs_overlays_trampoline_lowered:
0x8: {  	[smem:$0x3FA4] =	sst s0  }
0x9: {  	[smem:$0x3FA5] =	sst s1  }
0xa: {  	[smem:$0x3FA6] =	sst s2  }
0xb: {  	[smem:$0x3FA7] =	sst s3  }
0xc: {  	[smem:$0x3FA8] =	sst s4  }
0xd: {  	[smem:$0x3FA9] =	sst s5  }
0xe: {  	[smem:$0x3FAA] =	sst s6  }
0xf: {  	[smem:$0x3FAB] =	sst s7  }
0x10: {  	[smem:$0x3FAC] =	sst s8  }
0x11: {  	[smem:$0x3FAD] =	sst s9;
	s0 =	simm.s32 @!p0 $0x0  }
0x12: {  	s1 =	sld [smem:$0x3F93];
	s0 =	simm.s32 @p0 $0x1  }
0x13: {  	[smem:$0x3FAE] =	sst s0;
	s0 =	simm.s32 @!p1 $0x0  }
0x14: {  	s2 =	sld [smem:$0x3F92];
	s0 =	simm.s32 @p1 $0x1  }
0x15: {  	[smem:$0x3FAF] =	sst s0;
	s0 =	simm.s32 @!p2 $0x0  }
0x16: {  	s3 =	sld [smem:$0x3FDB];
	s0 =	simm.s32 @p2 $0x1  }
0x17: {  	s4 =	simm.s32 $0x1BF5;
	[smem:$0x3FB1] =	sst s0  }
0x18: {  	s0 =	sld [smem:$0x3F94];
	_ =	swait.ge [sflag:s4], $0x0  }
0x19: {  	s7 =	sld [smem:$0x3F95]  }
0x1a: {  	s8 =	sadd.s32 $0xFFFFE003, lr  }
0x1b: {  	s9 =	sadd.s32 $0xFFFFFEF7, lr;
	s5 =	simm.s32 $0xFFFFFFFF;
	p2 =	slt.u32 s8, $0xFFFFF086  }
0x1c: {  	p1 =	slt.u32 s9, $0xF7A;
	s5 =	simm.s32 @!p2 $0x0  }
0x1d: {  	s5 =	simm.s32 @p1 $0x1;
	p0 =	seq.s32 s7, s2  }
0x1e: {  	s7 =	smul.u32 @!p0 $0xF7A, s2;
	p2 =	seq.s32 @!p0 s5, $0x0  }
0x1f: {  	s9 =	smul.u32 $0xF7A, s1;
	s8 =	simm.s32 @!p0 $0x1BF5;
	p2 =	por !p2, p0  }
0x20: {  	[sflag:s8] =	ssyncset.s32 @!p0 $0xFFFFF086;
	s6 =	sadd.s32 @!p0 s3, s7;
	s7 =	simm.s32 @!p0 $0x108  }
0x21: {  	s3 =	sadd.s32 s3, s9;
	s6 =	sadd.s32 @!p0 $0x88, s6;
	s7 =	simm.s32 @p2 $0x1082  }
0x22: {  	[simem:s7], [sflag:s8] =	dma.local @!p0 [hbm:s6], $0xF7A  }
0x23: {  	s9 =	sor.u32 $0xD0000000, s2;
	s6 =	simm.s32 $0x108;
	_ =	swait.ge @!p0 [sflag:s8], $0x0  }
0x24: {  	s3 =	sadd.s32 $0x88, s3;
	s6 =	simm.s32 @!p1 $0x1082;
	[sflag:s4] =	ssyncset.s32 $0xFFFFF086  }
0x25: {  	[simem:s6], [sflag:s4] =	dma.local [hbm:s3], $0xF7A  }
0x26: {  	[smem:$0x3F95] =	sst s1;
	(tag) =	ssettag s2;
	_ =	strace s9  }
0x27: {  	s1 =	sld [smem:$0x3FA5]  }
0x28: {  	s2 =	sld [smem:$0x3FA6]  }
0x29: {  	s4 =	sld [smem:$0x3FA8]  }
0x2a: {  	p0 =	seq.s32 s5, $0x0;
	s5 =	sld [smem:$0x3FA9]  }
0x2b: {  	s6 =	sld [smem:$0x3FAA]  }
0x2c: {  	s7 =	sld [smem:$0x3FAB]  }
0x2d: {  	s3 =	simm.s32 $0x108;
	s8 =	sld [smem:$0x3FAC]  }
0x2e: {  	s3 =	simm.s32 @!p0 $0x1082;
	s9 =	sld [smem:$0x3FAD]  }
0x2f: {  	lr =	sadd.s32 s0, s3;
	s0 =	sld [smem:$0x3FA4]  }
0x30: {  	s3 =	sld [smem:$0x3FA7]  }
0x31: {  	[smem:$0x3FB0] =	sst s10  }
0x32: {  	s10 =	sld [smem:$0x3FAE];
	_ =	sdelay $0x3  }
0x33: {  	p0 =	seq.s32 s10, $0x1;
	s10 =	sld [smem:$0x3FB0];
	_ =	sdelay $0x3  }
0x34: {  	[smem:$0x3FB0] =	sst s10  }
0x35: {  	s10 =	sld [smem:$0x3FAF];
	_ =	sdelay $0x3  }
0x36: {  	p1 =	seq.s32 s10, $0x1;
	s10 =	sld [smem:$0x3FB0];
	_ =	sdelay $0x3  }
0x37: {  	[smem:$0x3FB0] =	sst s10  }
0x38: {  	s10 =	sld [smem:$0x3FB1]  }
0x39: {  	_ = 	snop;
	(pc) =	sbr.ind lr, $3  }
0x3a: {  	_ = 	snop  }
0x3b: {  	_ = 	snop  }
0x3c: {  	p2 =	seq.s32 s10, $0x1;
	s10 =	sld [smem:$0x3FB0]  }
0x3d: {  	_ =	shalt  }
0x3e: {  	_ =	shalt  }
0x3f: {  	_ =	shalt  }
0x40: {  	_ =	shalt  }
0x41: {  	_ =	shalt  }
0x42: {  	_ =	shalt  }
0x43: {  	_ =	shalt  }
0x44: {  	_ =	shalt  }
0x45: {  	_ =	shalt  }
0x46: {  	_ =	shalt  }
0x47: {  	_ =	shalt  }
0x48: {  	_ =	shalt  }
0x49: {  	_ =	shalt  }
0x4a: {  	_ =	shalt  }
0x4b: {  	_ =	shalt  }
0x4c: {  	_ =	shalt  }
0x4d: {  	_ =	shalt  }
0x4e: {  	_ =	shalt  }
0x4f: {  	_ =	shalt  }
0x50: {  	_ =	shalt  }
0x51: {  	_ =	shalt  }
0x52: {  	_ =	shalt  }
0x53: {  	_ =	shalt  }
0x54: {  	_ =	shalt  }
0x55: {  	_ =	shalt  }
0x56: {  	_ =	shalt  }
0x57: {  	_ =	shalt  }
0x58: {  	_ =	shalt  }
0x59: {  	_ =	shalt  }
0x5a: {  	_ =	shalt  }
0x5b: {  	_ =	shalt  }
0x5c: {  	_ =	shalt  }
0x5d: {  	_ =	shalt  }
0x5e: {  	_ =	shalt  }
0x5f: {  	_ =	shalt  }
0x60: {  	_ =	shalt  }
0x61: {  	_ =	shalt  }
0x62: {  	_ =	shalt  }
0x63: {  	_ =	shalt  }
0x64: {  	_ =	shalt  }
0x65: {  	_ =	shalt  }
0x66: {  	_ =	shalt  }
0x67: {  	_ =	shalt  }
0x68: {  	_ =	shalt  }
0x69: {  	_ =	shalt  }
0x6a: {  	_ =	shalt  }
0x6b: {  	_ =	shalt  }
0x6c: {  	_ =	shalt  }
0x6d: {  	_ =	shalt  }
0x6e: {  	_ =	shalt  }
0x6f: {  	_ =	shalt  }
0x70: {  	_ =	shalt  }
0x71: {  	_ =	shalt  }
0x72: {  	_ =	shalt  }
0x73: {  	_ =	shalt  }
0x74: {  	_ =	shalt  }
0x75: {  	_ =	shalt  }
0x76: {  	_ =	shalt  }
0x77: {  	_ =	shalt  }
0x78: {  	_ =	shalt  }
0x79: {  	_ =	shalt  }
0x7a: {  	_ =	shalt  }
0x7b: {  	_ =	shalt  }
0x7c: {  	_ =	shalt  }
0x7d: {  	_ =	shalt  }
0x7e: {  	_ =	shalt  }
0x7f: {  	_ =	shalt  }
0x80: {  	_ =	shalt  }
0x81: {  	_ =	shalt  }
0x82: {  	_ =	shalt  }
0x83: {  	_ =	shalt  }
0x84: {  	_ =	shalt  }
0x85: {  	_ =	shalt  }
0x86: {  	_ =	shalt  }
0x87: {  	_ =	shalt  }
.Lfunc_end0:
.L_simem_size_0:
called_computation.1_lowered:
.L_overlay_start_0:
0x88: {  	s2 =	sld [smem:$0x3FD9]  }
0x89: {  	s3 =	sld [smem:$0x3FFE];
	_ =	sdelay $0x1  }
0x8a: {  	s1 =	srdreg.scid  }
0x8b: {  	s0 =	sand.u32 $0x1, s1  }
0x8c: {  	s14 =	sshll.u32 s0, $0xA;
	s2 =	sadd.s32 s3, s2  }
0x8d: {  	s2 =	sadd.s32 s2, s14  }
0x8e: {  	[smem:$0x3FBC] =	sst s2  }
0x8f: {  	_ = 	snop  }
0x90: {  	s2 =	sld [smem:$0x3FD0];
	_ =	sdelay $0x2  }
0x91: {  	s15 =	simm.s32 $0xA;
	s4 =	simm.s32 $0x10  }
0x92: {  	[smem:s4], [sflag:s15] =	dma.local [hbm:s2], $0x1  }
0x93: {  	_ =	swait.eq [sflag:s15], $0x1  }
0x94: {  	[sflag:s15] =	ssyncset.done $0x0  }
0x95: {  	[sflag:s15] =	ssyncadd.s32 $0xFFFFFFFF  }
0x96: {  	s16 =	sld [smem:$0x11];
	(tm) =	ssettm $0x1  }
0x97: {  	s17 =	sld [smem:$0x3FFB];
	_ =	sdelay $0x3  }
0x98: {  	_ =	strace s17  }
0x99: {  	s3 =	sld [smem:$0x3FFC];
	_ =	sdelay $0x3  }
0x9a: {  	_ =	strace s3  }
0x9b: {  	s3 =	sld [smem:$0x3FFD];
	_ =	sdelay $0x3  }
0x9c: {  	_ =	strace s3  }
0x9d: {  	_ =	strace $0x8FFFFFFF  }
0x9e: {  	s18 =	sld [smem:$0x3FDB];
	_ =	sdelay $0x1  }
0x9f: {  	s19 =	simm.s32 $_scs_section_size  }
0xa0: {  	s5 =	simm.s32 $_size__tile_overlayer_lowered;
	s6 =	simm.s32 $_tile_overlayer_lowered  }
0xa1: {  	s22 =	simm.s32 $0x1BFF;
	s21 =	sshll.u32 s6, $0x1;
	s3 =	sadd.s32 s19, s18  }
0xa2: {  	s7 =	simm.s32 $0x0;
	s20 =	sshll.u32 s5, $0x1;
	s5 =	sadd.s32 s21, s3  }
0xa3: {  	[timem:s7], [sflag:s22] =	dma.local [hbm:s5], s20  }
0xa4: {  	_ =	swait.ge [sflag:s22], s20  }
0xa5: {  	s4 =	ssub.s32 $0x0, s20;
	[sflag:s22] =	ssyncset.done $0x0  }
0xa6: {  	[sflag:s22] =	ssyncadd.s32 s4;
	_ =	sdelay $0x1  }
0xa7: {  	s23 =	simm.s32 $0x1B8B  }
0xa8: {  	_ =	swait.ge [sflag:s23], $0x1  }
0xa9: {  	[sflag:s23] =	ssyncset.done $0x0  }
0xaa: {  	s25 =	simm.s32 $0x1B8E;
	s24 =	sld [smem:$0x3FFE];
	[sflag:s23] =	ssyncadd.s32 $0xFFFFFFFF  }
0xab: {  	s26 =	simm.s32 $execute0_lowered;
	[smem:$0x3FD2] =	sst s25  }
0xac: {  	s5 =	sshll.u32 s26, $0x1;
	_ =	strace $0x80000049;
	[dreg:$0x1] =	wrdreg $0xFFFFFFFF  }
0xad: {  	s28 =	simm.s32 $_size_execute0_lowered;
	s3 =	sadd.s32 s3, s5;
	[dreg:$0x0] =	wrdreg $0x0  }
0xae: {  	s5 =	sshll.u32 s28, $0x1;
	[dreg:$0x2] =	wrdreg s3  }
0xaf: {  	[dreg:$0x3] =	wrdreg s5  }
0xb0: {  	[dreg:$0x4] =	wrdreg $0xC0  }
0xb1: {  	_ =	task [dreg:s7], $0x5FFFF  }
0xb2: {  	[dreg:$0x1] =	wrdreg $0xFFFFFFFF  }
0xb3: {  	[dreg:$0x0] =	wrdreg $0x60  }
0xb4: {  	[dreg:$0x2] =	wrdreg s16  }
0xb5: {  	[dreg:$0x3] =	wrdreg s24  }
0xb6: {  	[dreg:$0x4] =	wrdreg $0xA8000  }
0xb7: {  	[dreg:$0x5] =	wrdreg $0x9  }
0xb8: {  	_ =	task.clear_ibuf [dreg:s7], $0x6FFFF;
	_ =	strace $0x90000049  }
0xb9: {  	s29 =	simm.s32 $0x9;
	_ =	strace $0x8000004B  }
0xba: {  	_ =	swait.ge [sflag:s29], $0x1  }
0xbb: {  	[sflag:s29] =	ssyncadd.s32 $0xFFFFFFFF  }
0xbc: {  	_ =	strace $0x9000004B  }
0xbd: {  	_ =	sfence  }
0xbe: {  	s30 =	sld [smem:$0x0];
	_ =	sdelay $0x2  }
0xbf: {  	s31 =	sshll.u32 s1, $0xD;
	s1 =	sshrl.u32 s1, $0x2  }
0xc0: {  	s3 =	sand.u32 $0x4000, s31;
	s1 =	sadd.s32 s1, s30  }
0xc1: {  	s0 =	sor.u32 s3, s0;
	s1 =	sshll.u32 s1, $0x11  }
0xc2: {  	s0 =	sor.u32 s1, s0  }
0xc3: {  	s0 =	sadd.s32 $0x8F2B, s0  }
0xc4: {  	[sflag:s0] =	ssyncadd.remote.s32 $0x1  }
0xc5: {  	_ =	sfence.sel $0xFFFF  }
0xc6: {  	[dreg:$0x0] =	wrdreg $0xFFFFFFFF;
	(pc) =	sbr.abs _section_cstart, $3  }
0xc7: {  	[dreg:$0x1] =	wrdreg $0xFFFFFFFF  }
0xc8: {  	_ =	task.clear_ibuf [dreg:s7], $0x2FFFF;
	_ =	strace $0x9FFFFFFF  }
0xc9: {  	(tm) =	ssettm $0x7FFFFFFF  }
tec
execute0_lowered:
.L_overlay_start_1:
0x0: {  	(tag) =	ssettag $0x1  }
0x1: {  	s0 =	rddreg [dreg:$0x0]  }
0x2: {  	s5 =	rddreg [dreg:$0x1];
	s1 =	srdreg.scid  }
0x3: {  	s3 =	rddreg [dreg:$0x2];
	s2 =	stileid.u32;
	s4 =	simm.s32 $0x0  }
0x4: {  	s17 =	simm.s32 $0x8000;
	s18 =	simm.s32 $0x9400;
	s19 =	simm.s32 $0x80  }
0x5: {  	s20 =	simm.s32 $0x4000;
	s21 =	simm.s32 $0x1;
	s22 =	simm.s32 $0x2  }
0x6: {  	s23 =	simm.s32 $0x9380;
	s24 =	simm.s32 $0xA700;
	s25 =	simm.s32 $0xA780  }
0x7: {  	s6 =	sand.u32 $0x1, s1;
	s8 =	smul.u32 $0x14000, s2;
	[smem:$0x7FF] =	sst s4  }
0x8: {  	s12 =	sadd.s32 $0xC800, s5;
	s26 =	smul.u32 $0x50000, s2;
	s13 =	sadd.s32 $0x2800, s5  }
0x9: {  	s7 =	smul.u32 $0x140000, s6;
	_ =	strace $0x8000004A;
	s28 =	sshll.u32 s6, $0x4  }
0xa: {  	s6 =	ssub.s32 $0x2, s6;
	s29 =	sor.u32 s2, s28;
	s30 =	sshrl.u32 s26, $0x2  }
0xb: {  	s31 =	sshrl.u32 s6, $0x1;
	s26 =	simm.s32 $0x0;
	s7 =	sadd.s32 s8, s7  }
0xc: {  	s10 =	smul.u32 $0x2800, s29;
	s15 =	ssub.s32 s6, s31;
	s7 =	sshrl.u32 s7, $0x3  }
0xd: {  	s15 =	smax.u32 s15, $0x1;
	s14 =	sadd.s32 s7, s5;
	s5 =	sadd.s32 s30, s3  }
0xe: {  	s16 =	sshrl.u32 s10, $0x3;
	s6 =	sadd.s32 $0x4000, s5;
	s7 =	sadd.s32 $0x8000, s5  }
0xf: {  	s8 =	sadd.s32 $0xC000, s5;
	s9 =	sadd.s32 $0x10000, s5;
	s10 =	sadd.s32 s12, s16  }
0x10: {  	s11 =	sadd.s32 s13, s16;
	s16 =	sadd.s32 $0x280, s16;
	s14 =	sadd.s32 $0x66800, s14  }
0x11: {  	v0 =	vimm.f32 $0.0e+00;
	s12 =	sadd.s32 s12, s16;
	s13 =	sadd.s32 s13, s16;
	s16 =	simm.s32 $0x3  }
.LBB2_1:
0x12: {  	s28 =	simm.s32 $0x0;
	s29 =	simm.s32 $0x200  }
.LBB2_2:
0x13: {  	p0 =	sne.s32 s29, $0xFE00;
	[tilespmem:s28+$0x70] =	vst v0  }
0x14: {  	[tilespmem:s28+$0x0] =	vst v0  }
0x15: {  	[tilespmem:s28+$0x10] =	vst v0  }
.Ltmp0:
0x16: {  	[tilespmem:s28+$0x20] =	vst v0;
	(pc) =	sbr.rel @p0 .LBB2_2-.Ltmp0, $4  }
0x17: {  	[tilespmem:s28+$0x30] =	vst v0  }
0x18: {  	[tilespmem:s28+$0x40] =	vst v0  }
0x19: {  	[tilespmem:s28+$0x50] =	vst v0  }
0x1a: {  	[tilespmem:s28+$0x60] =	vst v0;
	s28 =	sshra.s32 s29, $0x2;
	s29 =	sadd.s32 $0x200, s29  }
0x1b: {  	[tilespmem:s28+$0x70] =	vst v0  }
0x1c: {  	[tilespmem:s28+$0x0] =	vst v0  }
0x1d: {  	[tilespmem:s28+$0x10] =	vst v0  }
0x1e: {  	[tilespmem:s28+$0x20] =	vst v0  }
0x1f: {  	[tilespmem:s28+$0x30] =	vst v0  }
0x20: {  	[tilespmem:s28+$0x40] =	vst v0  }
0x21: {  	[tilespmem:s28+$0x50] =	vst v0  }
0x22: {  	[tilespmem:s28+$0x60] =	vst v0;
	s28 =	simm.s32 $0x0  }
0x23: {  	[spmem:s5] =	stream.linear.scatter [tilespmem:s28], [sflag:$0x3], $0x4000, $0x38;
	[tilespmem:$0x1E800] =	vst v63  }
0x24: {  	_ =	swait.ge [sflag:s16], $0x4000  }
0x25: {  	[sflag:s16] =	ssyncset.done $0x0  }
0x26: {  	[sflag:s16] =	ssyncadd.s32 $0xFFFFC000  }
0x27: {  	[spmem:s6] =	stream.linear.scatter [tilespmem:s28], [sflag:$0x3], $0x4000, $0x38;
	[tilespmem:$0x1E800] =	vst v63  }
0x28: {  	_ =	swait.ge [sflag:s16], $0x4000  }
0x29: {  	[sflag:s16] =	ssyncset.done $0x0  }
0x2a: {  	[sflag:s16] =	ssyncadd.s32 $0xFFFFC000  }
0x2b: {  	[spmem:s7] =	stream.linear.scatter [tilespmem:s28], [sflag:$0x3], $0x4000, $0x38;
	[tilespmem:$0x1E800] =	vst v63  }
0x2c: {  	_ =	swait.ge [sflag:s16], $0x4000  }
0x2d: {  	[sflag:s16] =	ssyncset.done $0x0  }
0x2e: {  	[sflag:s16] =	ssyncadd.s32 $0xFFFFC000  }
0x2f: {  	[spmem:s8] =	stream.linear.scatter [tilespmem:s28], [sflag:$0x3], $0x4000, $0x38;
	[tilespmem:$0x1E800] =	vst v63  }
0x30: {  	_ =	swait.ge [sflag:s16], $0x4000  }
0x31: {  	[sflag:s16] =	ssyncset.done $0x0  }
0x32: {  	[sflag:s16] =	ssyncadd.s32 $0xFFFFC000  }
0x33: {  	[spmem:s9] =	stream.linear.scatter [tilespmem:s28], [sflag:$0x3], $0x4000, $0x38;
	[tilespmem:$0x1E800] =	vst v63  }
0x34: {  	_ =	swait.ge [sflag:s16], $0x4000  }
0x35: {  	[sflag:s16] =	ssyncset.done $0x0  }
0x36: {  	[sflag:s16] =	ssyncadd.s32 $0xFFFFC000  }
0x37: {  	[bflag:$0x0] =	sbarrier.arrive $0xFFFF  }
0x38: {  	[tilespmem:s17], [sflag:$0x3] =	stream.linear.gather [hbm4b:s10+s28], $0x1400, $0x38;
	[tilespmem:$0x1E800] =	vst v63  }
0x39: {  	_ =	swait.ge [sflag:s16], $0x1400  }
0x3a: {  	[sflag:s16] =	ssyncset.done $0x0  }
0x3b: {  	[sflag:s16] =	ssyncadd.s32 $0xFFFFEC00  }
0x3c: {  	[tilespmem:s18], [sflag:$0x3] =	stream.linear.gather [hbm4b:s11+s28], $0x1400, $0x38;
	[tilespmem:$0x1E800] =	vst v63  }
0x3d: {  	_ =	swait.ge [sflag:s16], $0x1400  }
0x3e: {  	[sflag:s16] =	ssyncset.done $0x0  }
0x3f: {  	[sflag:s16] =	ssyncadd.s32 $0xFFFFEC00  }
0x40: {  	[tilespmem:s28], [sflag:$0x1] =	stream.indirect.gather [hbm4b:s0+s19], $0x80, s17, s19, $0xb8;
	[tilespmem:$0x1E800] =	vst v63  }
0x41: {  	s28 =	simm.s32 $0x8080  }
0x42: {  	[tilespmem:s20], [sflag:$0x2] =	stream.indirect.gather [hbm4b:s0+s19], $0x80, s28, s19, $0xb8;
	[tilespmem:$0x1E800] =	vst v63  }
0x43: {  	_ =	swait.ge [sflag:s21], $0x4000  }
0x44: {  	[sflag:s21] =	ssyncset.done $0x0  }
0x45: {  	s28 =	simm.s32 $0x9400;
	[sflag:s21] =	ssyncadd.s32 $0xFFFFC000  }
0x46: {  	[spmem:s3] =	stream.indirect.scatter.add.f32 [tilespmem:s4], [sflag:$0x3], $0x80, s28, s19, $0xb8;
	[tilespmem:$0x1E800] =	vst v63  }
0x47: {  	_ =	swait.ge [sflag:s16], $0x4000  }
0x48: {  	[sflag:s16] =	ssyncset.done $0x0  }
0x49: {  	s28 =	simm.s32 $0x8100;
	[sflag:s16] =	ssyncadd.s32 $0xFFFFC000  }
0x4a: {  	[tilespmem:s4], [sflag:$0x1] =	stream.indirect.gather [hbm4b:s0+s19], $0x80, s28, s19, $0xb8;
	[tilespmem:$0x1E800] =	vst v63  }
0x4b: {  	_ =	swait.ge [sflag:s22], $0x4000  }
0x4c: {  	[sflag:s22] =	ssyncset.done $0x0  }
0x4d: {  	s28 =	simm.s32 $0x9480;
	[sflag:s22] =	ssyncadd.s32 $0xFFFFC000  }
0x4e: {  	[spmem:s3] =	stream.indirect.scatter.add.f32 [tilespmem:s20], [sflag:$0x3], $0x80, s28, s19, $0xb8;
	[tilespmem:$0x1E800] =	vst v63  }
0x4f: {  	_ =	swait.ge [sflag:s16], $0x4000  }
0x50: {  	s29 =	simm.s32 $0x800;
	s28 =	simm.s32 $0x100;
	[sflag:s16] =	ssyncset.done $0x0  }
.LBB2_4:
0x51: {  	s30 =	sadd.s32 $0x8080, s28  }
0x52: {  	[sflag:s16] =	ssyncadd.s32 $0xFFFFC000;
	s31 =	smov.u32 s29;
	s1 =	sadd.s32 $0x400, s29  }
0x53: {  	[tilespmem:s20], [sflag:$0x2] =	stream.indirect.gather [hbm4b:s0+s19], $0x80, s30, s19, $0xb8;
	[tilespmem:$0x1E800] =	vst v63  }
0x54: {  	p0 =	sne.s32 s29, $0x4800;
	_ =	swait.ge [sflag:s21], $0x4000  }
0x55: {  	[sflag:s21] =	ssyncset.done $0x0  }
0x56: {  	s29 =	sadd.s32 $0x9400, s28;
	[sflag:s21] =	ssyncadd.s32 $0xFFFFC000  }
0x57: {  	[spmem:s3] =	stream.indirect.scatter.add.f32 [tilespmem:s4], [sflag:$0x3], $0x80, s29, s19, $0xb8;
	[tilespmem:$0x1E800] =	vst v63  }
0x58: {  	_ =	swait.ge [sflag:s16], $0x4000  }
0x59: {  	[sflag:s16] =	ssyncset.done $0x0  }
0x5a: {  	s29 =	sadd.s32 $0x8100, s28;
	[sflag:s16] =	ssyncadd.s32 $0xFFFFC000  }
0x5b: {  	[tilespmem:s4], [sflag:$0x1] =	stream.indirect.gather [hbm4b:s0+s19], $0x80, s29, s19, $0xb8;
	[tilespmem:$0x1E800] =	vst v63  }
0x5c: {  	_ =	swait.ge [sflag:s22], $0x4000  }
.Ltmp1:
0x5d: {  	[sflag:s22] =	ssyncset.done $0x0;
	(pc) =	sbr.rel @p0 .LBB2_4-.Ltmp1, $4  }
0x5e: {  	s28 =	sadd.s32 $0x9480, s28;
	[sflag:s22] =	ssyncadd.s32 $0xFFFFC000  }
0x5f: {  	[spmem:s3] =	stream.indirect.scatter.add.f32 [tilespmem:s20], [sflag:$0x3], $0x80, s28, s19, $0xb8;
	[tilespmem:$0x1E800] =	vst v63  }
0x60: {  	_ =	swait.ge [sflag:s16], $0x4000  }
0x61: {  	s29 =	smov.u32 s1;
	s28 =	sshra.s32 s31, $0x2;
	[sflag:s16] =	ssyncset.done $0x0  }
0x62: {  	s1 =	sadd.s32 $0x8080, s28;
	[sflag:s16] =	ssyncadd.s32 $0xFFFFC000  }
0x63: {  	[tilespmem:s20], [sflag:$0x2] =	stream.indirect.gather [hbm4b:s0+s19], $0x80, s1, s19, $0xb8;
	[tilespmem:$0x1E800] =	vst v63  }
0x64: {  	_ =	swait.ge [sflag:s21], $0x4000  }
0x65: {  	[sflag:s21] =	ssyncset.done $0x0  }
0x66: {  	s30 =	sadd.s32 $0x9400, s28;
	[sflag:s21] =	ssyncadd.s32 $0xFFFFC000  }
0x67: {  	[spmem:s3] =	stream.indirect.scatter.add.f32 [tilespmem:s4], [sflag:$0x3], $0x80, s30, s19, $0xb8;
	[tilespmem:$0x1E800] =	vst v63  }
0x68: {  	_ =	swait.ge [sflag:s16], $0x4000  }
0x69: {  	[sflag:s16] =	ssyncset.done $0x0  }
0x6a: {  	s31 =	sadd.s32 $0x8100, s28;
	[sflag:s16] =	ssyncadd.s32 $0xFFFFC000  }
0x6b: {  	[tilespmem:s4], [sflag:$0x1] =	stream.indirect.gather [hbm4b:s0+s19], $0x80, s31, s19, $0xb8;
	[tilespmem:$0x1E800] =	vst v63  }
0x6c: {  	_ =	swait.ge [sflag:s22], $0x4000  }
0x6d: {  	[sflag:s22] =	ssyncset.done $0x0  }
0x6e: {  	s30 =	sadd.s32 $0x9480, s28;
	[sflag:s22] =	ssyncadd.s32 $0xFFFFC000  }
0x6f: {  	[spmem:s3] =	stream.indirect.scatter.add.f32 [tilespmem:s20], [sflag:$0x3], $0x80, s30, s19, $0xb8;
	[tilespmem:$0x1E800] =	vst v63  }
0x70: {  	_ =	swait.ge [sflag:s16], $0x4000  }
0x71: {  	[sflag:s16] =	ssyncset.done $0x0  }
0x72: {  	[sflag:s16] =	ssyncadd.s32 $0xFFFFC000  }
0x73: {  	[tilespmem:s20], [sflag:$0x2] =	stream.indirect.gather [hbm4b:s0+s19], $0x80, s23, s19, $0xb8;
	[tilespmem:$0x1E800] =	vst v63  }
0x74: {  	_ =	swait.ge [sflag:s21], $0x4000  }
0x75: {  	[sflag:s21] =	ssyncset.done $0x0  }
0x76: {  	s31 =	simm.s32 $0x0;
	[sflag:s21] =	ssyncadd.s32 $0xFFFFC000  }
0x77: {  	[spmem:s3] =	stream.indirect.scatter.add.f32 [tilespmem:s31], [sflag:$0x3], $0x80, s24, s19, $0xb8;
	[tilespmem:$0x1E800] =	vst v63  }
0x78: {  	_ =	swait.ge [sflag:s16], $0x4000  }
0x79: {  	[sflag:s16] =	ssyncset.done $0x0  }
0x7a: {  	[sflag:s16] =	ssyncadd.s32 $0xFFFFC000  }
0x7b: {  	_ =	swait.ge [sflag:s22], $0x4000  }
0x7c: {  	[sflag:s22] =	ssyncset.done $0x0  }
0x7d: {  	[sflag:s22] =	ssyncadd.s32 $0xFFFFC000  }
0x7e: {  	[spmem:s3] =	stream.indirect.scatter.add.f32 [tilespmem:s20], [sflag:$0x3], $0x80, s25, s19, $0xb8;
	[tilespmem:$0x1E800] =	vst v63  }
0x7f: {  	_ =	swait.ge [sflag:s16], $0x4000  }
0x80: {  	[sflag:s16] =	ssyncset.done $0x0  }
0x81: {  	[sflag:s16] =	ssyncadd.s32 $0xFFFFC000  }
0x82: {  	[tilespmem:s17], [sflag:$0x3] =	stream.linear.gather [hbm4b:s12+s31], $0x1400, $0x38;
	[tilespmem:$0x1E800] =	vst v63  }
0x83: {  	_ =	swait.ge [sflag:s16], $0x1400  }
0x84: {  	[sflag:s16] =	ssyncset.done $0x0  }
0x85: {  	[sflag:s16] =	ssyncadd.s32 $0xFFFFEC00  }
0x86: {  	[tilespmem:s18], [sflag:$0x3] =	stream.linear.gather [hbm4b:s13+s31], $0x1400, $0x38;
	[tilespmem:$0x1E800] =	vst v63  }
0x87: {  	_ =	swait.ge [sflag:s16], $0x1400  }
0x88: {  	[sflag:s16] =	ssyncset.done $0x0  }
0x89: {  	[sflag:s16] =	ssyncadd.s32 $0xFFFFEC00  }
0x8a: {  	[tilespmem:s31], [sflag:$0x1] =	stream.indirect.gather [hbm4b:s0+s19], $0x80, s17, s19, $0xb8;
	[tilespmem:$0x1E800] =	vst v63  }
0x8b: {  	s30 =	simm.s32 $0x8080  }
0x8c: {  	[tilespmem:s20], [sflag:$0x2] =	stream.indirect.gather [hbm4b:s0+s19], $0x80, s30, s19, $0xb8;
	[tilespmem:$0x1E800] =	vst v63  }
0x8d: {  	_ =	swait.ge [sflag:s21], $0x4000  }
0x8e: {  	[sflag:s21] =	ssyncset.done $0x0  }
0x8f: {  	s31 =	simm.s32 $0x9400;
	[sflag:s21] =	ssyncadd.s32 $0xFFFFC000  }
0x90: {  	[spmem:s3] =	stream.indirect.scatter.add.f32 [tilespmem:s4], [sflag:$0x3], $0x80, s31, s19, $0xb8;
	[tilespmem:$0x1E800] =	vst v63  }
0x91: {  	_ =	swait.ge [sflag:s16], $0x4000  }
0x92: {  	[sflag:s16] =	ssyncset.done $0x0  }
0x93: {  	s30 =	simm.s32 $0x8100;
	[sflag:s16] =	ssyncadd.s32 $0xFFFFC000  }
0x94: {  	[tilespmem:s4], [sflag:$0x1] =	stream.indirect.gather [hbm4b:s0+s19], $0x80, s30, s19, $0xb8;
	[tilespmem:$0x1E800] =	vst v63  }
0x95: {  	_ =	swait.ge [sflag:s22], $0x4000  }
0x96: {  	[sflag:s22] =	ssyncset.done $0x0  }
0x97: {  	s31 =	simm.s32 $0x9480;
	[sflag:s22] =	ssyncadd.s32 $0xFFFFC000  }
0x98: {  	[spmem:s3] =	stream.indirect.scatter.add.f32 [tilespmem:s20], [sflag:$0x3], $0x80, s31, s19, $0xb8;
	[tilespmem:$0x1E800] =	vst v63  }
0x99: {  	_ =	swait.ge [sflag:s16], $0x4000  }
0x9a: {  	s29 =	simm.s32 $0x800;
	s28 =	simm.s32 $0x100;
	[sflag:s16] =	ssyncset.done $0x0  }
.LBB2_6:
0x9b: {  	s1 =	sadd.s32 $0x8080, s28  }
0x9c: {  	[sflag:s16] =	ssyncadd.s32 $0xFFFFC000;
	s30 =	smov.u32 s29;
	s31 =	sadd.s32 $0x400, s29  }
0x9d: {  	[tilespmem:s20], [sflag:$0x2] =	stream.indirect.gather [hbm4b:s0+s19], $0x80, s1, s19, $0xb8;
	[tilespmem:$0x1E800] =	vst v63  }
0x9e: {  	p0 =	sne.s32 s29, $0x4800;
	_ =	swait.ge [sflag:s21], $0x4000  }
0x9f: {  	[sflag:s21] =	ssyncset.done $0x0  }
0xa0: {  	s1 =	sadd.s32 $0x9400, s28;
	[sflag:s21] =	ssyncadd.s32 $0xFFFFC000  }
0xa1: {  	[spmem:s3] =	stream.indirect.scatter.add.f32 [tilespmem:s4], [sflag:$0x3], $0x80, s1, s19, $0xb8;
	[tilespmem:$0x1E800] =	vst v63  }
0xa2: {  	_ =	swait.ge [sflag:s16], $0x4000  }
0xa3: {  	[sflag:s16] =	ssyncset.done $0x0  }
0xa4: {  	s1 =	sadd.s32 $0x8100, s28;
	[sflag:s16] =	ssyncadd.s32 $0xFFFFC000  }
0xa5: {  	[tilespmem:s4], [sflag:$0x1] =	stream.indirect.gather [hbm4b:s0+s19], $0x80, s1, s19, $0xb8;
	[tilespmem:$0x1E800] =	vst v63  }
0xa6: {  	_ =	swait.ge [sflag:s22], $0x4000  }
.Ltmp2:
0xa7: {  	[sflag:s22] =	ssyncset.done $0x0;
	(pc) =	sbr.rel @p0 .LBB2_6-.Ltmp2, $4  }
0xa8: {  	s1 =	sadd.s32 $0x9480, s28;
	[sflag:s22] =	ssyncadd.s32 $0xFFFFC000  }
0xa9: {  	[spmem:s3] =	stream.indirect.scatter.add.f32 [tilespmem:s20], [sflag:$0x3], $0x80, s1, s19, $0xb8;
	[tilespmem:$0x1E800] =	vst v63  }
0xaa: {  	_ =	swait.ge [sflag:s16], $0x4000  }
0xab: {  	s29 =	smov.u32 s31;
	s28 =	sshra.s32 s30, $0x2;
	[sflag:s16] =	ssyncset.done $0x0  }
0xac: {  	s1 =	sadd.s32 $0x8080, s28;
	[sflag:s16] =	ssyncadd.s32 $0xFFFFC000  }
0xad: {  	[tilespmem:s20], [sflag:$0x2] =	stream.indirect.gather [hbm4b:s0+s19], $0x80, s1, s19, $0xb8;
	[tilespmem:$0x1E800] =	vst v63  }
0xae: {  	_ =	swait.ge [sflag:s21], $0x4000  }
0xaf: {  	[sflag:s21] =	ssyncset.done $0x0  }
0xb0: {  	s30 =	sadd.s32 $0x9400, s28;
	[sflag:s21] =	ssyncadd.s32 $0xFFFFC000  }
0xb1: {  	[spmem:s3] =	stream.indirect.scatter.add.f32 [tilespmem:s4], [sflag:$0x3], $0x80, s30, s19, $0xb8;
	[tilespmem:$0x1E800] =	vst v63  }
0xb2: {  	_ =	swait.ge [sflag:s16], $0x4000  }
0xb3: {  	[sflag:s16] =	ssyncset.done $0x0  }
0xb4: {  	s31 =	sadd.s32 $0x8100, s28;
	[sflag:s16] =	ssyncadd.s32 $0xFFFFC000  }
0xb5: {  	[tilespmem:s4], [sflag:$0x1] =	stream.indirect.gather [hbm4b:s0+s19], $0x80, s31, s19, $0xb8;
	[tilespmem:$0x1E800] =	vst v63  }
0xb6: {  	_ =	swait.ge [sflag:s22], $0x4000  }
0xb7: {  	[sflag:s22] =	ssyncset.done $0x0  }
0xb8: {  	s29 =	sadd.s32 $0x9480, s28;
	[sflag:s22] =	ssyncadd.s32 $0xFFFFC000  }
0xb9: {  	[spmem:s3] =	stream.indirect.scatter.add.f32 [tilespmem:s20], [sflag:$0x3], $0x80, s29, s19, $0xb8;
	[tilespmem:$0x1E800] =	vst v63  }
0xba: {  	_ =	swait.ge [sflag:s16], $0x4000  }
0xbb: {  	[sflag:s16] =	ssyncset.done $0x0  }
0xbc: {  	[sflag:s16] =	ssyncadd.s32 $0xFFFFC000  }
0xbd: {  	[tilespmem:s20], [sflag:$0x2] =	stream.indirect.gather [hbm4b:s0+s19], $0x80, s23, s19, $0xb8;
	[tilespmem:$0x1E800] =	vst v63  }
0xbe: {  	_ =	swait.ge [sflag:s21], $0x4000  }
0xbf: {  	[sflag:s21] =	ssyncset.done $0x0  }
0xc0: {  	[sflag:s21] =	ssyncadd.s32 $0xFFFFC000  }
0xc1: {  	[spmem:s3] =	stream.indirect.scatter.add.f32 [tilespmem:s4], [sflag:$0x3], $0x80, s24, s19, $0xb8;
	[tilespmem:$0x1E800] =	vst v63  }
0xc2: {  	_ =	swait.ge [sflag:s16], $0x4000  }
0xc3: {  	[sflag:s16] =	ssyncset.done $0x0  }
0xc4: {  	[sflag:s16] =	ssyncadd.s32 $0xFFFFC000  }
0xc5: {  	_ =	swait.ge [sflag:s22], $0x4000  }
0xc6: {  	[sflag:s22] =	ssyncset.done $0x0  }
0xc7: {  	[sflag:s22] =	ssyncadd.s32 $0xFFFFC000  }
0xc8: {  	[spmem:s3] =	stream.indirect.scatter.add.f32 [tilespmem:s20], [sflag:$0x3], $0x80, s25, s19, $0xb8;
	[tilespmem:$0x1E800] =	vst v63  }
0xc9: {  	_ =	swait.ge [sflag:s16], $0x4000  }
0xca: {  	s26 =	sadd.s32 $0x1, s26;
	s30 =	sshll.u32 s2, $0x6;
	[sflag:s16] =	ssyncset.done $0x0  }
0xcb: {  	p0 =	sne.s32 s26, s15;
	s1 =	sor.u32 $0x1C03, s30;
	[sflag:s16] =	ssyncadd.s32 $0xFFFFC000  }
.Ltmp3:
0xcc: {  	s31 =	sshrl.u32 s5, $0x3;
	[bflag:$0x0] =	sbarrier.arrive $0xFFFF;
	(pc) =	sbr.rel @p0 .LBB2_1-.Ltmp3, $4  }
0xcd: {  	[hbm:s14], [sflag:s1] =	dma.local [spmem:s31], $0x2800  }
0xce: {  	_ =	swait.ge [sflag:s16], $0x2800  }
0xcf: {  	[sflag:s16] =	ssyncset.done $0x0  }
0xd0: {  	[sflag:s16] =	ssyncadd.s32 $0xFFFFD800  }
0xd1: {  	_ =	sfence.sel $0x180000  }
0xd2: {  	[bflag:$0x0] =	sbarrier.arrive $0xFFFF  }
0xd3: {  	_ =	strace $0x9000004A  }
0xd4: {  	[bflag:$0x2] =	sbarrier.arrive $0xFFFF  }
0xd5: {  	p0 =	sne.s32 s2, $0x0;
	s0 =	rddreg [dreg:$0x3]  }
0xd6: {  	s0 =	sadd.s32 @!p0 $0x100000, s0  }
0xd7: {  	[sflag:s0] =	ssyncadd.tile.s32 @!p0 $0x1;
	_ =	shalt  }
.Lfunc_end2:
_tile_overlayer_lowered:
.L_overlay_start_2:
0xd8: {  	(tag) =	ssettag $0x2  }
0xd9: {  	s0 =	rddreg [dreg:$0x0];
	s2 =	stileid.u32  }
0xda: {  	s1 =	rddreg [dreg:$0x1];
	p0 =	sne.s32 s2, $0x0  }
0xdb: {  	s3 =	rddreg [dreg:$0x2];
	[bflag:$0x3] =	sbarrier.arrive $0xFFFF;
	s2 =	simm.s32 @!p0 $0x1C03  }
0xdc: {  	[timem:s3], [sflag:s2] =	dma.local @!p0 [hbm:s0], s1  }
0xdd: {  	s0 =	simm.s32 @!p0 $0x3  }
0xde: {  	_ =	swait.ge @!p0 [sflag:s0], s1  }
0xdf: {  	s1 =	ssub.s32 @!p0 $0x0, s1;
	[sflag:s0] =	ssyncset.done @!p0 $0x0  }
0xe0: {  	[sflag:s0] =	ssyncadd.s32 @!p0 s1  }
0xe1: {  	[bflag:$0x3] =	sbarrier.arrive $0xFFFF  }
0xe2: {  	_ =	shalt  }

</sc_bundles>
